<compile_context>
chip_gen: v7x
topology: tpu7x:2x2x1
jax: 0.10.2.dev20260603
libtpu: 0.0.44.dev20260713+nightly
codegen_flags: <defaults>
</compile_context>

<pallas_src>
import functools

import jax
import jax.numpy as jnp
from jax import lax
from jax.experimental import pallas as pl
from jax.experimental.pallas import tpu as pltpu
from jax.experimental.pallas import tpu_sc as plsc

B = 16384
D = 64
DH = 128
H = 256
N = 1000000

BLK = 32768
RPB = BLK // 128
NB = (N + BLK - 1) // BLK
RTOT = NB * RPB

NC = 2
NS = 16
L = 16
NW = NC * NS
BPW = B // NW
CHUNK = 128
NCH = BPW // CHUNK


def _collapse_body(w_hid_ref, b_hid_ref, w_out_ref, b_out_ref, w_ref, c_ref):
    w = lax.dot_general(w_hid_ref[...], w_out_ref[...],
                        (((1,), (0,)), ((), ())),
                        preferred_element_type=jnp.float32)
    w_ref[...] = w.reshape(1, DH)
    c = lax.dot_general(b_hid_ref[...], w_out_ref[...],
                        (((1,), (0,)), ((), ())),
                        preferred_element_type=jnp.float32)
    c_ref[...] = c + b_out_ref[...]


_collapse = pl.pallas_call(
    _collapse_body,
    out_shape=[
        jax.ShapeDtypeStruct((1, DH), jnp.float32),
        jax.ShapeDtypeStruct((1, 1), jnp.float32),
    ],
)


def _matvec_body(w_ref, x_ref, o_ref):
    r = lax.dot_general(w_ref[...], x_ref[...],
                        (((1,), (0,)), ((), ())),
                        preferred_element_type=jnp.float32)
    o_ref[...] = r.reshape(RPB, 128)


_matvec = pl.pallas_call(
    _matvec_body,
    grid=(NB,),
    in_specs=[
        pl.BlockSpec((1, D), lambda k: (0, 0)),
        pl.BlockSpec((D, BLK), lambda k: (0, k)),
    ],
    out_specs=pl.BlockSpec((RPB, 128), lambda k: (k, 0)),
    out_shape=jax.ShapeDtypeStruct((RTOT, 128), jnp.float32),
)


_sc_mesh = plsc.VectorSubcoreMesh(core_axis_name="c", subcore_axis_name="s")


@functools.partial(
    pl.kernel,
    out_type=jax.ShapeDtypeStruct((B,), jnp.float32),
    mesh=_sc_mesh,
    compiler_params=pltpu.CompilerParams(needs_layout_passes=False,
                                         use_tc_tiling_on_sc=False),
    scratch_types=[
        pltpu.VMEM((NCH, CHUNK), jnp.int32),
        pltpu.VMEM((BPW,), jnp.int32),
        pltpu.VMEM((2, CHUNK, 128), jnp.float32),
        pltpu.VMEM((BPW,), jnp.float32),
        pltpu.SemaphoreType.DMA,
        pltpu.SemaphoreType.DMA,
    ],
)
def _sc_gather(rows_hbm, lanes_hbm, dots_hbm, out_hbm,
               idx_v, lane_v, buf, out_v, sem_i, sem_g):
    wid = lax.axis_index("s") * NC + lax.axis_index("c")
    base = wid * BPW
    pltpu.sync_copy(rows_hbm.at[wid], idx_v)
    pltpu.sync_copy(lanes_hbm.at[pl.ds(base, BPW)], lane_v)

    copies = [None, None]

    def issue(j):
        copies[j % 2] = pltpu.async_copy(
            dots_hbm.at[idx_v.at[j]], buf.at[j % 2], sem_g)

    issue(0)
    for j in range(NCH):
        if j + 1 < NCH:
            issue(j + 1)
        copies[j % 2].wait()
        for blk in range(CHUNK // L):
            r0 = j * CHUNK + blk * L
            rid = blk * L + lax.iota(jnp.int32, L)
            lv = lane_v[pl.ds(r0, L)]
            out_v[pl.ds(r0, L)] = plsc.load_gather(buf.at[j % 2], [rid, lv])

    pltpu.sync_copy(out_v, out_hbm.at[pl.ds(base, BPW)])


def kernel(user, item, W_user, W_item, W_hid, b_hid, W_out, b_out):
    w2d, c2d = _collapse(W_hid, b_hid.reshape(1, H), W_out, b_out.reshape(1, 1))
    wu = w2d[:, :D]
    wi = w2d[:, D:]

    dots_u = _matvec(wu, W_user.T)
    dots_i = _matvec(wi, W_item.T)

    u = user.astype(jnp.int32)
    i = item.astype(jnp.int32)
    rows_u = lax.shift_right_logical(u, 7).reshape(NW, NCH, CHUNK)
    rows_i = lax.shift_right_logical(i, 7).reshape(NW, NCH, CHUNK)
    lanes_u = jnp.bitwise_and(u, 127)
    lanes_i = jnp.bitwise_and(i, 127)

    su = _sc_gather(rows_u, lanes_u, dots_u)
    si = _sc_gather(rows_i, lanes_i, dots_i)

    out = su + si + c2d[0, 0]
    return out.reshape(B, 1)

# --- scband reference (transcript-rebuilt; emitter-appended) ---
"""Pipeline reference for scband-model-90409061581380 (READ-ONLY COPY).

The authoritative reference and input builder live on the scoring server;
editing this copy changes nothing except your own understanding.
"""

import jax, jax.numpy as jnp
import numpy as np

B = 16384
U = 1000000
I = 1000000
D = 64
H = 256

def setup_inputs(seed: int = 0) -> dict:
    key = jax.random.key(seed)
    ks = jax.random.split(key, 8)
    user = jax.random.randint(ks[0], (B,), 0, U)
    item = jax.random.randint(ks[1], (B,), 0, I)
    W_user = (jax.random.normal(ks[2], (U, D), dtype=jnp.float32) * 0.02)
    W_item = (jax.random.normal(ks[3], (I, D), dtype=jnp.float32) * 0.02)
    W_hid = jax.random.normal(ks[4], (2 * D, H), dtype=jnp.float32) * (1.0 / np.sqrt(2 * D))
    b_hid = jnp.zeros((H,), dtype=jnp.float32)
    W_out = jax.random.normal(ks[5], (H, 1), dtype=jnp.float32) * (1.0 / np.sqrt(H))
    b_out = jnp.zeros((1,), dtype=jnp.float32)
    return {"user": user, "item": item, "W_user": W_user, "W_item": W_item,
            "W_hid": W_hid, "b_hid": b_hid, "W_out": W_out, "b_out": b_out}

def reference(user, item, W_user, W_item, W_hid, b_hid, W_out, b_out):
    # embedding lookups (gathers)
    u = jnp.take(W_user, user, axis=0)  # (B, D)
    v = jnp.take(W_item, item, axis=0)  # (B, D)
    # dropout is identity in eval mode
    r = jnp.concatenate([u, v], axis=-1)  # (B, 2D) -- intended torch.cat([user, item], dim=-1)
    r = r @ W_hid + b_hid  # hid linear
    r = r @ W_out + b_out  # out linear
    return r  # (B, 1)

if __name__ == "__main__":
    import jax
    _d = setup_inputs()
    print(jax.jit(kernel)(*tuple(_d.values())))

</pallas_src>

<mosaic_0001>
#map = affine_map<(d0, d1) -> (0, 0, 0)>
#map1 = affine_map<(d0, d1) -> (0)>
#map2 = affine_map<(d0, d1) -> (0, 0)>
module attributes {stable_mosaic.version = 14 : i64} {
  func.func @_sc_gather(%arg0: i32, %arg1: i32, %arg2: memref<32x4x128xi32, #tpu.memory_space<hbm>>, %arg3: memref<16384xi32, #tpu.memory_space<hbm>>, %arg4: memref<7936x128xf32, #tpu.memory_space<hbm>>, %arg5: memref<16384xf32, #tpu.memory_space<hbm>>, %arg6: memref<4x128xi32, #tpu.memory_space<vmem>>, %arg7: memref<512xi32, #tpu.memory_space<vmem>>, %arg8: memref<2x128x128xf32, #tpu.memory_space<vmem>>, %arg9: memref<512xf32, #tpu.memory_space<vmem>>, %arg10: memref<!tpu.dma_semaphore, #tpu.memory_space<semaphore_mem>>, %arg11: memref<!tpu.dma_semaphore, #tpu.memory_space<semaphore_mem>>) attributes {dimension_semantics = [#tpu.dimension_semantics<core_parallel>, #tpu.dimension_semantics<subcore_parallel>], iteration_bounds = array<i64: 2, 16>, scalar_prefetch = 0 : i64, scratch_operands = 6 : i64, tpu.core_type = #tpu.core_type<sc_vector_subcore>, window_params = [{transform_indices = #map}, {transform_indices = #map1}, {transform_indices = #map2}, {transform_indices = #map1}]} {
    %mul3A = arith.constant 2 : i32
    %mul3A_0 = arith.muli %arg1, %mul3A : i32
    %add3A = arith.addi %mul3A_0, %arg0 : i32
    %mul3A_1 = arith.constant 512 : i32
    %mul3A_2 = arith.muli %add3A, %mul3A_1 : i32
    "tpu.region"() ({
      %run_scoped3A = tpu.sem_alloc : memref<!tpu.dma_semaphore, #tpu.memory_space<semaphore_mem>>
      %dma_start3A_541 = arith.constant 0 : i32
      %dma_start3A_542 = arith.constant 0 : i32
      %dma_start3A_543 = tpu.memref_slice %arg2[%add3A, %dma_start3A_541, %dma_start3A_542] : memref<32x4x128xi32, #tpu.memory_space<hbm>> -> memref<1x4x128xi32, #tpu.memory_space<hbm>>
      %dma_start3A_544 = tpu.memref_squeeze %dma_start3A_543 : memref<1x4x128xi32, #tpu.memory_space<hbm>> -> memref<4x128xi32, #tpu.memory_space<hbm>>
      %dma_start3A_545 = arith.constant 0 : i32
      %dma_start3A_546 = arith.constant 0 : i32
      %dma_start3A_547 = tpu.memref_slice %arg2[%add3A, %dma_start3A_545, %dma_start3A_546] : memref<32x4x128xi32, #tpu.memory_space<hbm>> -> memref<1x4x128xi32, #tpu.memory_space<hbm>>
      %dma_start3A_548 = tpu.memref_squeeze %dma_start3A_547 : memref<1x4x128xi32, #tpu.memory_space<hbm>> -> memref<4x128xi32, #tpu.memory_space<hbm>>
      tpu.enqueue_dma source(%dma_start3A_548 : memref<4x128xi32, #tpu.memory_space<hbm>>) target(%arg6 : memref<4x128xi32, #tpu.memory_space<vmem>>) target_semaphore(%run_scoped3A : memref<!tpu.dma_semaphore, #tpu.memory_space<semaphore_mem>>)
      %dma_wait3A_549 = arith.constant 0 : i32
      %dma_wait3A_550 = arith.constant 0 : i32
      %dma_wait3A_551 = tpu.memref_slice %arg2[%add3A, %dma_wait3A_549, %dma_wait3A_550] : memref<32x4x128xi32, #tpu.memory_space<hbm>> -> memref<1x4x128xi32, #tpu.memory_space<hbm>>
      %dma_wait3A_552 = tpu.memref_squeeze %dma_wait3A_551 : memref<1x4x128xi32, #tpu.memory_space<hbm>> -> memref<4x128xi32, #tpu.memory_space<hbm>>
      %dma_wait3A_553 = arith.constant 0 : i32
      %dma_wait3A_554 = arith.constant 0 : i32
      %dma_wait3A_555 = tpu.memref_slice %arg2[%add3A, %dma_wait3A_553, %dma_wait3A_554] : memref<32x4x128xi32, #tpu.memory_space<hbm>> -> memref<1x4x128xi32, #tpu.memory_space<hbm>>
      %dma_wait3A_556 = tpu.memref_squeeze %dma_wait3A_555 : memref<1x4x128xi32, #tpu.memory_space<hbm>> -> memref<4x128xi32, #tpu.memory_space<hbm>>
      tpu.wait_dma2 semaphore(%run_scoped3A : memref<!tpu.dma_semaphore, #tpu.memory_space<semaphore_mem>>) src(%dma_wait3A_556 : memref<4x128xi32, #tpu.memory_space<hbm>>) dst(%arg6 : memref<4x128xi32, #tpu.memory_space<vmem>>)
      tpu.yield
    }) : () -> ()
    "tpu.region"() ({
      %run_scoped3A = tpu.sem_alloc : memref<!tpu.dma_semaphore, #tpu.memory_space<semaphore_mem>>
      %dma_start3A_541 = tpu.memref_slice %arg3[%mul3A_2] : memref<16384xi32, #tpu.memory_space<hbm>> -> memref<512xi32, #tpu.memory_space<hbm>>
      %dma_start3A_542 = tpu.memref_slice %arg3[%mul3A_2] : memref<16384xi32, #tpu.memory_space<hbm>> -> memref<512xi32, #tpu.memory_space<hbm>>
      tpu.enqueue_dma source(%dma_start3A_542 : memref<512xi32, #tpu.memory_space<hbm>>) target(%arg7 : memref<512xi32, #tpu.memory_space<vmem>>) target_semaphore(%run_scoped3A : memref<!tpu.dma_semaphore, #tpu.memory_space<semaphore_mem>>)
      %dma_wait3A_543 = tpu.memref_slice %arg3[%mul3A_2] : memref<16384xi32, #tpu.memory_space<hbm>> -> memref<512xi32, #tpu.memory_space<hbm>>
      %dma_wait3A_544 = tpu.memref_slice %arg3[%mul3A_2] : memref<16384xi32, #tpu.memory_space<hbm>> -> memref<512xi32, #tpu.memory_space<hbm>>
      tpu.wait_dma2 semaphore(%run_scoped3A : memref<!tpu.dma_semaphore, #tpu.memory_space<semaphore_mem>>) src(%dma_wait3A_544 : memref<512xi32, #tpu.memory_space<hbm>>) dst(%arg7 : memref<512xi32, #tpu.memory_space<vmem>>)
      tpu.yield
    }) : () -> ()
    %dma_start3A = arith.constant 0 : i32
    %dma_start3A_3 = arith.constant 0 : i32
    %dma_start3A_4 = arith.constant 0 : i32
    %dma_start3A_5 = arith.constant 0 : i32
    %dma_start3A_6 = tpu.memref_slice %arg8[%dma_start3A_3, %dma_start3A_4, %dma_start3A_5] : memref<2x128x128xf32, #tpu.memory_space<vmem>> -> memref<1x128x128xf32, #tpu.memory_space<vmem>>
    %dma_start3A_7 = tpu.memref_squeeze %dma_start3A_6 : memref<1x128x128xf32, #tpu.memory_space<vmem>> -> memref<128x128xf32, #tpu.memory_space<vmem>>
    %dma_start3A_8 = arith.constant 0 : i32
    %dma_start3A_9 = tpu.memref_slice %arg6[%dma_start3A, %dma_start3A_8] : memref<4x128xi32, #tpu.memory_space<vmem>> -> memref<1x128xi32, #tpu.memory_space<vmem>>
    %dma_start3A_10 = tpu.memref_squeeze %dma_start3A_9 : memref<1x128xi32, #tpu.memory_space<vmem>> -> memref<128xi32, #tpu.memory_space<vmem>>
    %dma_start3A_11 = arith.constant 0 : i32
    %dma_start3A_12 = arith.constant 0 : i32
    %dma_start3A_13 = tpu.memref_slice %arg4[%dma_start3A_11, %dma_start3A_12] : memref<7936x128xf32, #tpu.memory_space<hbm>> -> memref<7936x128xf32, #tpu.memory_space<hbm>>
    tpu.enqueue_indirect_dma source(%dma_start3A_13 : memref<7936x128xf32, #tpu.memory_space<hbm>>) target(%dma_start3A_7 : memref<128x128xf32, #tpu.memory_space<vmem>>) offsets(%dma_start3A_10 : memref<128xi32, #tpu.memory_space<vmem>>) semaphore(%arg11 : memref<!tpu.dma_semaphore, #tpu.memory_space<semaphore_mem>>)
    %dma_start3A_14 = arith.constant 1 : i32
    %dma_start3A_15 = arith.constant 1 : i32
    %dma_start3A_16 = arith.constant 0 : i32
    %dma_start3A_17 = arith.constant 0 : i32
    %dma_start3A_18 = tpu.memref_slice %arg8[%dma_start3A_15, %dma_start3A_16, %dma_start3A_17] : memref<2x128x128xf32, #tpu.memory_space<vmem>> -> memref<1x128x128xf32, #tpu.memory_space<vmem>>
    %dma_start3A_19 = tpu.memref_squeeze %dma_start3A_18 : memref<1x128x128xf32, #tpu.memory_space<vmem>> -> memref<128x128xf32, #tpu.memory_space<vmem>>
    %dma_start3A_20 = arith.constant 0 : i32
    %dma_start3A_21 = tpu.memref_slice %arg6[%dma_start3A_14, %dma_start3A_20] : memref<4x128xi32, #tpu.memory_space<vmem>> -> memref<1x128xi32, #tpu.memory_space<vmem>>
    %dma_start3A_22 = tpu.memref_squeeze %dma_start3A_21 : memref<1x128xi32, #tpu.memory_space<vmem>> -> memref<128xi32, #tpu.memory_space<vmem>>
    %dma_start3A_23 = arith.constant 0 : i32
    %dma_start3A_24 = arith.constant 0 : i32
    %dma_start3A_25 = tpu.memref_slice %arg4[%dma_start3A_23, %dma_start3A_24] : memref<7936x128xf32, #tpu.memory_space<hbm>> -> memref<7936x128xf32, #tpu.memory_space<hbm>>
    tpu.enqueue_indirect_dma source(%dma_start3A_25 : memref<7936x128xf32, #tpu.memory_space<hbm>>) target(%dma_start3A_19 : memref<128x128xf32, #tpu.memory_space<vmem>>) offsets(%dma_start3A_22 : memref<128xi32, #tpu.memory_space<vmem>>) semaphore(%arg11 : memref<!tpu.dma_semaphore, #tpu.memory_space<semaphore_mem>>)
    %dma_wait3A = arith.constant 0 : i32
    %dma_wait3A_26 = arith.constant 0 : i32
    %dma_wait3A_27 = arith.constant 0 : i32
    %dma_wait3A_28 = arith.constant 0 : i32
    %dma_wait3A_29 = tpu.memref_slice %arg8[%dma_wait3A_26, %dma_wait3A_27, %dma_wait3A_28] : memref<2x128x128xf32, #tpu.memory_space<vmem>> -> memref<1x128x128xf32, #tpu.memory_space<vmem>>
    %dma_wait3A_30 = tpu.memref_squeeze %dma_wait3A_29 : memref<1x128x128xf32, #tpu.memory_space<vmem>> -> memref<128x128xf32, #tpu.memory_space<vmem>>
    %dma_wait3A_31 = arith.constant 0 : i32
    %dma_wait3A_32 = tpu.memref_slice %arg6[%dma_wait3A, %dma_wait3A_31] : memref<4x128xi32, #tpu.memory_space<vmem>> -> memref<1x128xi32, #tpu.memory_space<vmem>>
    %dma_wait3A_33 = tpu.memref_squeeze %dma_wait3A_32 : memref<1x128xi32, #tpu.memory_space<vmem>> -> memref<128xi32, #tpu.memory_space<vmem>>
    %dma_wait3A_34 = arith.constant 0 : i32
    %dma_wait3A_35 = arith.constant 0 : i32
    %dma_wait3A_36 = tpu.memref_slice %arg4[%dma_wait3A_34, %dma_wait3A_35] : memref<7936x128xf32, #tpu.memory_space<hbm>> -> memref<7936x128xf32, #tpu.memory_space<hbm>>
    tpu.wait_indirect_dma semaphore(%arg11 : memref<!tpu.dma_semaphore, #tpu.memory_space<semaphore_mem>>) src(%dma_wait3A_36 : memref<7936x128xf32, #tpu.memory_space<hbm>>) dst(%dma_wait3A_30 : memref<128x128xf32, #tpu.memory_space<vmem>>)
    %iota3A = tpu.iota {dimensions = array<i32: 0>} : vector<16xi32>
    %add3A_37 = arith.constant 0 : i32
    %add3A_38 = vector.broadcast %add3A_37 : i32 to vector<16xi32>
    %add3A_39 = arith.addi %add3A_38, %iota3A : vector<16xi32>
    %get3A = arith.constant 0 : index
    %get3A_40 = tpu.vector_load %arg7[%get3A] {strides = array<i32>} : memref<512xi32, #tpu.memory_space<vmem>>, vector<16xi32>,
    %gather3A = arith.constant 0 : i32
    %gather3A_41 = arith.constant 0 : i32
    %gather3A_42 = arith.constant 0 : i32
    %gather3A_43 = tpu.memref_slice %arg8[%gather3A, %gather3A_41, %gather3A_42] : memref<2x128x128xf32, #tpu.memory_space<vmem>> -> memref<1x128x128xf32, #tpu.memory_space<vmem>>
    %gather3A_44 = tpu.memref_squeeze %gather3A_43 : memref<1x128x128xf32, #tpu.memory_space<vmem>> -> memref<128x128xf32, #tpu.memory_space<vmem>>
    %gather3A_45 = tpu.vector_load_idx %gather3A_44[%add3A_39, %get3A_40] : memref<128x128xf32, #tpu.memory_space<vmem>>[vector<16xi32>, vector<16xi32>], vector<16xf32>,
    %swap3A = arith.constant 0 : index
    %swap3A_46 = tpu.vector_load %arg9[%swap3A] {strides = array<i32>} : memref<512xf32, #tpu.memory_space<vmem>>, vector<16xf32>,
    tpu.vector_store %arg9[%swap3A], %gather3A_45 {strides = array<i32>} : memref<512xf32, #tpu.memory_space<vmem>>, vector<16xf32>,
    %iota3A_47 = tpu.iota {dimensions = array<i32: 0>} : vector<16xi32>
    %add3A_48 = arith.constant 16 : i32
    %add3A_49 = vector.broadcast %add3A_48 : i32 to vector<16xi32>
    %add3A_50 = arith.addi %add3A_49, %iota3A_47 : vector<16xi32>
    %get3A_51 = arith.constant 16 : index
    %get3A_52 = tpu.vector_load %arg7[%get3A_51] {strides = array<i32>} : memref<512xi32, #tpu.memory_space<vmem>>, vector<16xi32>,
    %gather3A_53 = arith.constant 0 : i32
    %gather3A_54 = arith.constant 0 : i32
    %gather3A_55 = arith.constant 0 : i32
    %gather3A_56 = tpu.memref_slice %arg8[%gather3A_53, %gather3A_54, %gather3A_55] : memref<2x128x128xf32, #tpu.memory_space<vmem>> -> memref<1x128x128xf32, #tpu.memory_space<vmem>>
    %gather3A_57 = tpu.memref_squeeze %gather3A_56 : memref<1x128x128xf32, #tpu.memory_space<vmem>> -> memref<128x128xf32, #tpu.memory_space<vmem>>
    %gather3A_58 = tpu.vector_load_idx %gather3A_57[%add3A_50, %get3A_52] : memref<128x128xf32, #tpu.memory_space<vmem>>[vector<16xi32>, vector<16xi32>], vector<16xf32>,
    %swap3A_59 = arith.constant 16 : index
    %swap3A_60 = tpu.vector_load %arg9[%swap3A_59] {strides = array<i32>} : memref<512xf32, #tpu.memory_space<vmem>>, vector<16xf32>,
    tpu.vector_store %arg9[%swap3A_59], %gather3A_58 {strides = array<i32>} : memref<512xf32, #tpu.memory_space<vmem>>, vector<16xf32>,
    %iota3A_61 = tpu.iota {dimensions = array<i32: 0>} : vector<16xi32>
    %add3A_62 = arith.constant 32 : i32
    %add3A_63 = vector.broadcast %add3A_62 : i32 to vector<16xi32>
    %add3A_64 = arith.addi %add3A_63, %iota3A_61 : vector<16xi32>
    %get3A_65 = arith.constant 32 : index
    %get3A_66 = tpu.vector_load %arg7[%get3A_65] {strides = array<i32>} : memref<512xi32, #tpu.memory_space<vmem>>, vector<16xi32>,
    %gather3A_67 = arith.constant 0 : i32
    %gather3A_68 = arith.constant 0 : i32
    %gather3A_69 = arith.constant 0 : i32
    %gather3A_70 = tpu.memref_slice %arg8[%gather3A_67, %gather3A_68, %gather3A_69] : memref<2x128x128xf32, #tpu.memory_space<vmem>> -> memref<1x128x128xf32, #tpu.memory_space<vmem>>
    %gather3A_71 = tpu.memref_squeeze %gather3A_70 : memref<1x128x128xf32, #tpu.memory_space<vmem>> -> memref<128x128xf32, #tpu.memory_space<vmem>>
    %gather3A_72 = tpu.vector_load_idx %gather3A_71[%add3A_64, %get3A_66] : memref<128x128xf32, #tpu.memory_space<vmem>>[vector<16xi32>, vector<16xi32>], vector<16xf32>,
    %swap3A_73 = arith.constant 32 : index
    %swap3A_74 = tpu.vector_load %arg9[%swap3A_73] {strides = array<i32>} : memref<512xf32, #tpu.memory_space<vmem>>, vector<16xf32>,
    tpu.vector_store %arg9[%swap3A_73], %gather3A_72 {strides = array<i32>} : memref<512xf32, #tpu.memory_space<vmem>>, vector<16xf32>,
    %iota3A_75 = tpu.iota {dimensions = array<i32: 0>} : vector<16xi32>
    %add3A_76 = arith.constant 48 : i32
    %add3A_77 = vector.broadcast %add3A_76 : i32 to vector<16xi32>
    %add3A_78 = arith.addi %add3A_77, %iota3A_75 : vector<16xi32>
    %get3A_79 = arith.constant 48 : index
    %get3A_80 = tpu.vector_load %arg7[%get3A_79] {strides = array<i32>} : memref<512xi32, #tpu.memory_space<vmem>>, vector<16xi32>,
    %gather3A_81 = arith.constant 0 : i32
    %gather3A_82 = arith.constant 0 : i32
    %gather3A_83 = arith.constant 0 : i32
    %gather3A_84 = tpu.memref_slice %arg8[%gather3A_81, %gather3A_82, %gather3A_83] : memref<2x128x128xf32, #tpu.memory_space<vmem>> -> memref<1x128x128xf32, #tpu.memory_space<vmem>>
    %gather3A_85 = tpu.memref_squeeze %gather3A_84 : memref<1x128x128xf32, #tpu.memory_space<vmem>> -> memref<128x128xf32, #tpu.memory_space<vmem>>
    %gather3A_86 = tpu.vector_load_idx %gather3A_85[%add3A_78, %get3A_80] : memref<128x128xf32, #tpu.memory_space<vmem>>[vector<16xi32>, vector<16xi32>], vector<16xf32>,
    %swap3A_87 = arith.constant 48 : index
    %swap3A_88 = tpu.vector_load %arg9[%swap3A_87] {strides = array<i32>} : memref<512xf32, #tpu.memory_space<vmem>>, vector<16xf32>,
    tpu.vector_store %arg9[%swap3A_87], %gather3A_86 {strides = array<i32>} : memref<512xf32, #tpu.memory_space<vmem>>, vector<16xf32>,
    %iota3A_89 = tpu.iota {dimensions = array<i32: 0>} : vector<16xi32>
    %add3A_90 = arith.constant 64 : i32
    %add3A_91 = vector.broadcast %add3A_90 : i32 to vector<16xi32>
    %add3A_92 = arith.addi %add3A_91, %iota3A_89 : vector<16xi32>
    %get3A_93 = arith.constant 64 : index
    %get3A_94 = tpu.vector_load %arg7[%get3A_93] {strides = array<i32>} : memref<512xi32, #tpu.memory_space<vmem>>, vector<16xi32>,
    %gather3A_95 = arith.constant 0 : i32
    %gather3A_96 = arith.constant 0 : i32
    %gather3A_97 = arith.constant 0 : i32
    %gather3A_98 = tpu.memref_slice %arg8[%gather3A_95, %gather3A_96, %gather3A_97] : memref<2x128x128xf32, #tpu.memory_space<vmem>> -> memref<1x128x128xf32, #tpu.memory_space<vmem>>
    %gather3A_99 = tpu.memref_squeeze %gather3A_98 : memref<1x128x128xf32, #tpu.memory_space<vmem>> -> memref<128x128xf32, #tpu.memory_space<vmem>>
    %gather3A_100 = tpu.vector_load_idx %gather3A_99[%add3A_92, %get3A_94] : memref<128x128xf32, #tpu.memory_space<vmem>>[vector<16xi32>, vector<16xi32>], vector<16xf32>,
    %swap3A_101 = arith.constant 64 : index
    %swap3A_102 = tpu.vector_load %arg9[%swap3A_101] {strides = array<i32>} : memref<512xf32, #tpu.memory_space<vmem>>, vector<16xf32>,
    tpu.vector_store %arg9[%swap3A_101], %gather3A_100 {strides = array<i32>} : memref<512xf32, #tpu.memory_space<vmem>>, vector<16xf32>,
    %iota3A_103 = tpu.iota {dimensions = array<i32: 0>} : vector<16xi32>
    %add3A_104 = arith.constant 80 : i32
    %add3A_105 = vector.broadcast %add3A_104 : i32 to vector<16xi32>
    %add3A_106 = arith.addi %add3A_105, %iota3A_103 : vector<16xi32>
    %get3A_107 = arith.constant 80 : index
    %get3A_108 = tpu.vector_load %arg7[%get3A_107] {strides = array<i32>} : memref<512xi32, #tpu.memory_space<vmem>>, vector<16xi32>,
    %gather3A_109 = arith.constant 0 : i32
    %gather3A_110 = arith.constant 0 : i32
    %gather3A_111 = arith.constant 0 : i32
    %gather3A_112 = tpu.memref_slice %arg8[%gather3A_109, %gather3A_110, %gather3A_111] : memref<2x128x128xf32, #tpu.memory_space<vmem>> -> memref<1x128x128xf32, #tpu.memory_space<vmem>>
    %gather3A_113 = tpu.memref_squeeze %gather3A_112 : memref<1x128x128xf32, #tpu.memory_space<vmem>> -> memref<128x128xf32, #tpu.memory_space<vmem>>
    %gather3A_114 = tpu.vector_load_idx %gather3A_113[%add3A_106, %get3A_108] : memref<128x128xf32, #tpu.memory_space<vmem>>[vector<16xi32>, vector<16xi32>], vector<16xf32>,
    %swap3A_115 = arith.constant 80 : index
    %swap3A_116 = tpu.vector_load %arg9[%swap3A_115] {strides = array<i32>} : memref<512xf32, #tpu.memory_space<vmem>>, vector<16xf32>,
    tpu.vector_store %arg9[%swap3A_115], %gather3A_114 {strides = array<i32>} : memref<512xf32, #tpu.memory_space<vmem>>, vector<16xf32>,
    %iota3A_117 = tpu.iota {dimensions = array<i32: 0>} : vector<16xi32>
    %add3A_118 = arith.constant 96 : i32
    %add3A_119 = vector.broadcast %add3A_118 : i32 to vector<16xi32>
    %add3A_120 = arith.addi %add3A_119, %iota3A_117 : vector<16xi32>
    %get3A_121 = arith.constant 96 : index
    %get3A_122 = tpu.vector_load %arg7[%get3A_121] {strides = array<i32>} : memref<512xi32, #tpu.memory_space<vmem>>, vector<16xi32>,
    %gather3A_123 = arith.constant 0 : i32
    %gather3A_124 = arith.constant 0 : i32
    %gather3A_125 = arith.constant 0 : i32
    %gather3A_126 = tpu.memref_slice %arg8[%gather3A_123, %gather3A_124, %gather3A_125] : memref<2x128x128xf32, #tpu.memory_space<vmem>> -> memref<1x128x128xf32, #tpu.memory_space<vmem>>
    %gather3A_127 = tpu.memref_squeeze %gather3A_126 : memref<1x128x128xf32, #tpu.memory_space<vmem>> -> memref<128x128xf32, #tpu.memory_space<vmem>>
    %gather3A_128 = tpu.vector_load_idx %gather3A_127[%add3A_120, %get3A_122] : memref<128x128xf32, #tpu.memory_space<vmem>>[vector<16xi32>, vector<16xi32>], vector<16xf32>,
    %swap3A_129 = arith.constant 96 : index
    %swap3A_130 = tpu.vector_load %arg9[%swap3A_129] {strides = array<i32>} : memref<512xf32, #tpu.memory_space<vmem>>, vector<16xf32>,
    tpu.vector_store %arg9[%swap3A_129], %gather3A_128 {strides = array<i32>} : memref<512xf32, #tpu.memory_space<vmem>>, vector<16xf32>,
    %iota3A_131 = tpu.iota {dimensions = array<i32: 0>} : vector<16xi32>
    %add3A_132 = arith.constant 112 : i32
    %add3A_133 = vector.broadcast %add3A_132 : i32 to vector<16xi32>
    %add3A_134 = arith.addi %add3A_133, %iota3A_131 : vector<16xi32>
    %get3A_135 = arith.constant 112 : index
    %get3A_136 = tpu.vector_load %arg7[%get3A_135] {strides = array<i32>} : memref<512xi32, #tpu.memory_space<vmem>>, vector<16xi32>,
    %gather3A_137 = arith.constant 0 : i32
    %gather3A_138 = arith.constant 0 : i32
    %gather3A_139 = arith.constant 0 : i32
    %gather3A_140 = tpu.memref_slice %arg8[%gather3A_137, %gather3A_138, %gather3A_139] : memref<2x128x128xf32, #tpu.memory_space<vmem>> -> memref<1x128x128xf32, #tpu.memory_space<vmem>>
    %gather3A_141 = tpu.memref_squeeze %gather3A_140 : memref<1x128x128xf32, #tpu.memory_space<vmem>> -> memref<128x128xf32, #tpu.memory_space<vmem>>
    %gather3A_142 = tpu.vector_load_idx %gather3A_141[%add3A_134, %get3A_136] : memref<128x128xf32, #tpu.memory_space<vmem>>[vector<16xi32>, vector<16xi32>], vector<16xf32>,
    %swap3A_143 = arith.constant 112 : index
    %swap3A_144 = tpu.vector_load %arg9[%swap3A_143] {strides = array<i32>} : memref<512xf32, #tpu.memory_space<vmem>>, vector<16xf32>,
    tpu.vector_store %arg9[%swap3A_143], %gather3A_142 {strides = array<i32>} : memref<512xf32, #tpu.memory_space<vmem>>, vector<16xf32>,
    %dma_start3A_145 = arith.constant 2 : i32
    %dma_start3A_146 = arith.constant 0 : i32
    %dma_start3A_147 = arith.constant 0 : i32
    %dma_start3A_148 = arith.constant 0 : i32
    %dma_start3A_149 = tpu.memref_slice %arg8[%dma_start3A_146, %dma_start3A_147, %dma_start3A_148] : memref<2x128x128xf32, #tpu.memory_space<vmem>> -> memref<1x128x128xf32, #tpu.memory_space<vmem>>
    %dma_start3A_150 = tpu.memref_squeeze %dma_start3A_149 : memref<1x128x128xf32, #tpu.memory_space<vmem>> -> memref<128x128xf32, #tpu.memory_space<vmem>>
    %dma_start3A_151 = arith.constant 0 : i32
    %dma_start3A_152 = tpu.memref_slice %arg6[%dma_start3A_145, %dma_start3A_151] : memref<4x128xi32, #tpu.memory_space<vmem>> -> memref<1x128xi32, #tpu.memory_space<vmem>>
    %dma_start3A_153 = tpu.memref_squeeze %dma_start3A_152 : memref<1x128xi32, #tpu.memory_space<vmem>> -> memref<128xi32, #tpu.memory_space<vmem>>
    %dma_start3A_154 = arith.constant 0 : i32
    %dma_start3A_155 = arith.constant 0 : i32
    %dma_start3A_156 = tpu.memref_slice %arg4[%dma_start3A_154, %dma_start3A_155] : memref<7936x128xf32, #tpu.memory_space<hbm>> -> memref<7936x128xf32, #tpu.memory_space<hbm>>
    tpu.enqueue_indirect_dma source(%dma_start3A_156 : memref<7936x128xf32, #tpu.memory_space<hbm>>) target(%dma_start3A_150 : memref<128x128xf32, #tpu.memory_space<vmem>>) offsets(%dma_start3A_153 : memref<128xi32, #tpu.memory_space<vmem>>) semaphore(%arg11 : memref<!tpu.dma_semaphore, #tpu.memory_space<semaphore_mem>>)
    %dma_wait3A_157 = arith.constant 1 : i32
    %dma_wait3A_158 = arith.constant 1 : i32
    %dma_wait3A_159 = arith.constant 0 : i32
    %dma_wait3A_160 = arith.constant 0 : i32
    %dma_wait3A_161 = tpu.memref_slice %arg8[%dma_wait3A_158, %dma_wait3A_159, %dma_wait3A_160] : memref<2x128x128xf32, #tpu.memory_space<vmem>> -> memref<1x128x128xf32, #tpu.memory_space<vmem>>
    %dma_wait3A_162 = tpu.memref_squeeze %dma_wait3A_161 : memref<1x128x128xf32, #tpu.memory_space<vmem>> -> memref<128x128xf32, #tpu.memory_space<vmem>>
    %dma_wait3A_163 = arith.constant 0 : i32
    %dma_wait3A_164 = tpu.memref_slice %arg6[%dma_wait3A_157, %dma_wait3A_163] : memref<4x128xi32, #tpu.memory_space<vmem>> -> memref<1x128xi32, #tpu.memory_space<vmem>>
    %dma_wait3A_165 = tpu.memref_squeeze %dma_wait3A_164 : memref<1x128xi32, #tpu.memory_space<vmem>> -> memref<128xi32, #tpu.memory_space<vmem>>
    %dma_wait3A_166 = arith.constant 0 : i32
    %dma_wait3A_167 = arith.constant 0 : i32
    %dma_wait3A_168 = tpu.memref_slice %arg4[%dma_wait3A_166, %dma_wait3A_167] : memref<7936x128xf32, #tpu.memory_space<hbm>> -> memref<7936x128xf32, #tpu.memory_space<hbm>>
    tpu.wait_indirect_dma semaphore(%arg11 : memref<!tpu.dma_semaphore, #tpu.memory_space<semaphore_mem>>) src(%dma_wait3A_168 : memref<7936x128xf32, #tpu.memory_space<hbm>>) dst(%dma_wait3A_162 : memref<128x128xf32, #tpu.memory_space<vmem>>)
    %iota3A_169 = tpu.iota {dimensions = array<i32: 0>} : vector<16xi32>
    %add3A_170 = arith.constant 0 : i32
    %add3A_171 = vector.broadcast %add3A_170 : i32 to vector<16xi32>
    %add3A_172 = arith.addi %add3A_171, %iota3A_169 : vector<16xi32>
    %get3A_173 = arith.constant 128 : index
    %get3A_174 = tpu.vector_load %arg7[%get3A_173] {strides = array<i32>} : memref<512xi32, #tpu.memory_space<vmem>>, vector<16xi32>,
    %gather3A_175 = arith.constant 1 : i32
    %gather3A_176 = arith.constant 0 : i32
    %gather3A_177 = arith.constant 0 : i32
    %gather3A_178 = tpu.memref_slice %arg8[%gather3A_175, %gather3A_176, %gather3A_177] : memref<2x128x128xf32, #tpu.memory_space<vmem>> -> memref<1x128x128xf32, #tpu.memory_space<vmem>>
    %gather3A_179 = tpu.memref_squeeze %gather3A_178 : memref<1x128x128xf32, #tpu.memory_space<vmem>> -> memref<128x128xf32, #tpu.memory_space<vmem>>
    %gather3A_180 = tpu.vector_load_idx %gather3A_179[%add3A_172, %get3A_174] : memref<128x128xf32, #tpu.memory_space<vmem>>[vector<16xi32>, vector<16xi32>], vector<16xf32>,
    %swap3A_181 = arith.constant 128 : index
    %swap3A_182 = tpu.vector_load %arg9[%swap3A_181] {strides = array<i32>} : memref<512xf32, #tpu.memory_space<vmem>>, vector<16xf32>,
    tpu.vector_store %arg9[%swap3A_181], %gather3A_180 {strides = array<i32>} : memref<512xf32, #tpu.memory_space<vmem>>, vector<16xf32>,
    %iota3A_183 = tpu.iota {dimensions = array<i32: 0>} : vector<16xi32>
    %add3A_184 = arith.constant 16 : i32
    %add3A_185 = vector.broadcast %add3A_184 : i32 to vector<16xi32>
    %add3A_186 = arith.addi %add3A_185, %iota3A_183 : vector<16xi32>
    %get3A_187 = arith.constant 144 : index
    %get3A_188 = tpu.vector_load %arg7[%get3A_187] {strides = array<i32>} : memref<512xi32, #tpu.memory_space<vmem>>, vector<16xi32>,
    %gather3A_189 = arith.constant 1 : i32
    %gather3A_190 = arith.constant 0 : i32
    %gather3A_191 = arith.constant 0 : i32
    %gather3A_192 = tpu.memref_slice %arg8[%gather3A_189, %gather3A_190, %gather3A_191] : memref<2x128x128xf32, #tpu.memory_space<vmem>> -> memref<1x128x128xf32, #tpu.memory_space<vmem>>
    %gather3A_193 = tpu.memref_squeeze %gather3A_192 : memref<1x128x128xf32, #tpu.memory_space<vmem>> -> memref<128x128xf32, #tpu.memory_space<vmem>>
    %gather3A_194 = tpu.vector_load_idx %gather3A_193[%add3A_186, %get3A_188] : memref<128x128xf32, #tpu.memory_space<vmem>>[vector<16xi32>, vector<16xi32>], vector<16xf32>,
    %swap3A_195 = arith.constant 144 : index
    %swap3A_196 = tpu.vector_load %arg9[%swap3A_195] {strides = array<i32>} : memref<512xf32, #tpu.memory_space<vmem>>, vector<16xf32>,
    tpu.vector_store %arg9[%swap3A_195], %gather3A_194 {strides = array<i32>} : memref<512xf32, #tpu.memory_space<vmem>>, vector<16xf32>,
    %iota3A_197 = tpu.iota {dimensions = array<i32: 0>} : vector<16xi32>
    %add3A_198 = arith.constant 32 : i32
    %add3A_199 = vector.broadcast %add3A_198 : i32 to vector<16xi32>
    %add3A_200 = arith.addi %add3A_199, %iota3A_197 : vector<16xi32>
    %get3A_201 = arith.constant 160 : index
    %get3A_202 = tpu.vector_load %arg7[%get3A_201] {strides = array<i32>} : memref<512xi32, #tpu.memory_space<vmem>>, vector<16xi32>,
    %gather3A_203 = arith.constant 1 : i32
    %gather3A_204 = arith.constant 0 : i32
    %gather3A_205 = arith.constant 0 : i32
    %gather3A_206 = tpu.memref_slice %arg8[%gather3A_203, %gather3A_204, %gather3A_205] : memref<2x128x128xf32, #tpu.memory_space<vmem>> -> memref<1x128x128xf32, #tpu.memory_space<vmem>>
    %gather3A_207 = tpu.memref_squeeze %gather3A_206 : memref<1x128x128xf32, #tpu.memory_space<vmem>> -> memref<128x128xf32, #tpu.memory_space<vmem>>
    %gather3A_208 = tpu.vector_load_idx %gather3A_207[%add3A_200, %get3A_202] : memref<128x128xf32, #tpu.memory_space<vmem>>[vector<16xi32>, vector<16xi32>], vector<16xf32>,
    %swap3A_209 = arith.constant 160 : index
    %swap3A_210 = tpu.vector_load %arg9[%swap3A_209] {strides = array<i32>} : memref<512xf32, #tpu.memory_space<vmem>>, vector<16xf32>,
    tpu.vector_store %arg9[%swap3A_209], %gather3A_208 {strides = array<i32>} : memref<512xf32, #tpu.memory_space<vmem>>, vector<16xf32>,
    %iota3A_211 = tpu.iota {dimensions = array<i32: 0>} : vector<16xi32>
    %add3A_212 = arith.constant 48 : i32
    %add3A_213 = vector.broadcast %add3A_212 : i32 to vector<16xi32>
    %add3A_214 = arith.addi %add3A_213, %iota3A_211 : vector<16xi32>
    %get3A_215 = arith.constant 176 : index
    %get3A_216 = tpu.vector_load %arg7[%get3A_215] {strides = array<i32>} : memref<512xi32, #tpu.memory_space<vmem>>, vector<16xi32>,
    %gather3A_217 = arith.constant 1 : i32
    %gather3A_218 = arith.constant 0 : i32
    %gather3A_219 = arith.constant 0 : i32
    %gather3A_220 = tpu.memref_slice %arg8[%gather3A_217, %gather3A_218, %gather3A_219] : memref<2x128x128xf32, #tpu.memory_space<vmem>> -> memref<1x128x128xf32, #tpu.memory_space<vmem>>
    %gather3A_221 = tpu.memref_squeeze %gather3A_220 : memref<1x128x128xf32, #tpu.memory_space<vmem>> -> memref<128x128xf32, #tpu.memory_space<vmem>>
    %gather3A_222 = tpu.vector_load_idx %gather3A_221[%add3A_214, %get3A_216] : memref<128x128xf32, #tpu.memory_space<vmem>>[vector<16xi32>, vector<16xi32>], vector<16xf32>,
    %swap3A_223 = arith.constant 176 : index
    %swap3A_224 = tpu.vector_load %arg9[%swap3A_223] {strides = array<i32>} : memref<512xf32, #tpu.memory_space<vmem>>, vector<16xf32>,
    tpu.vector_store %arg9[%swap3A_223], %gather3A_222 {strides = array<i32>} : memref<512xf32, #tpu.memory_space<vmem>>, vector<16xf32>,
    %iota3A_225 = tpu.iota {dimensions = array<i32: 0>} : vector<16xi32>
    %add3A_226 = arith.constant 64 : i32
    %add3A_227 = vector.broadcast %add3A_226 : i32 to vector<16xi32>
    %add3A_228 = arith.addi %add3A_227, %iota3A_225 : vector<16xi32>
    %get3A_229 = arith.constant 192 : index
    %get3A_230 = tpu.vector_load %arg7[%get3A_229] {strides = array<i32>} : memref<512xi32, #tpu.memory_space<vmem>>, vector<16xi32>,
    %gather3A_231 = arith.constant 1 : i32
    %gather3A_232 = arith.constant 0 : i32
    %gather3A_233 = arith.constant 0 : i32
    %gather3A_234 = tpu.memref_slice %arg8[%gather3A_231, %gather3A_232, %gather3A_233] : memref<2x128x128xf32, #tpu.memory_space<vmem>> -> memref<1x128x128xf32, #tpu.memory_space<vmem>>
    %gather3A_235 = tpu.memref_squeeze %gather3A_234 : memref<1x128x128xf32, #tpu.memory_space<vmem>> -> memref<128x128xf32, #tpu.memory_space<vmem>>
    %gather3A_236 = tpu.vector_load_idx %gather3A_235[%add3A_228, %get3A_230] : memref<128x128xf32, #tpu.memory_space<vmem>>[vector<16xi32>, vector<16xi32>], vector<16xf32>,
    %swap3A_237 = arith.constant 192 : index
    %swap3A_238 = tpu.vector_load %arg9[%swap3A_237] {strides = array<i32>} : memref<512xf32, #tpu.memory_space<vmem>>, vector<16xf32>,
    tpu.vector_store %arg9[%swap3A_237], %gather3A_236 {strides = array<i32>} : memref<512xf32, #tpu.memory_space<vmem>>, vector<16xf32>,
    %iota3A_239 = tpu.iota {dimensions = array<i32: 0>} : vector<16xi32>
    %add3A_240 = arith.constant 80 : i32
    %add3A_241 = vector.broadcast %add3A_240 : i32 to vector<16xi32>
    %add3A_242 = arith.addi %add3A_241, %iota3A_239 : vector<16xi32>
    %get3A_243 = arith.constant 208 : index
    %get3A_244 = tpu.vector_load %arg7[%get3A_243] {strides = array<i32>} : memref<512xi32, #tpu.memory_space<vmem>>, vector<16xi32>,
    %gather3A_245 = arith.constant 1 : i32
    %gather3A_246 = arith.constant 0 : i32
    %gather3A_247 = arith.constant 0 : i32
    %gather3A_248 = tpu.memref_slice %arg8[%gather3A_245, %gather3A_246, %gather3A_247] : memref<2x128x128xf32, #tpu.memory_space<vmem>> -> memref<1x128x128xf32, #tpu.memory_space<vmem>>
    %gather3A_249 = tpu.memref_squeeze %gather3A_248 : memref<1x128x128xf32, #tpu.memory_space<vmem>> -> memref<128x128xf32, #tpu.memory_space<vmem>>
    %gather3A_250 = tpu.vector_load_idx %gather3A_249[%add3A_242, %get3A_244] : memref<128x128xf32, #tpu.memory_space<vmem>>[vector<16xi32>, vector<16xi32>], vector<16xf32>,
    %swap3A_251 = arith.constant 208 : index
    %swap3A_252 = tpu.vector_load %arg9[%swap3A_251] {strides = array<i32>} : memref<512xf32, #tpu.memory_space<vmem>>, vector<16xf32>,
    tpu.vector_store %arg9[%swap3A_251], %gather3A_250 {strides = array<i32>} : memref<512xf32, #tpu.memory_space<vmem>>, vector<16xf32>,
    %iota3A_253 = tpu.iota {dimensions = array<i32: 0>} : vector<16xi32>
    %add3A_254 = arith.constant 96 : i32
    %add3A_255 = vector.broadcast %add3A_254 : i32 to vector<16xi32>
    %add3A_256 = arith.addi %add3A_255, %iota3A_253 : vector<16xi32>
    %get3A_257 = arith.constant 224 : index
    %get3A_258 = tpu.vector_load %arg7[%get3A_257] {strides = array<i32>} : memref<512xi32, #tpu.memory_space<vmem>>, vector<16xi32>,
    %gather3A_259 = arith.constant 1 : i32
    %gather3A_260 = arith.constant 0 : i32
    %gather3A_261 = arith.constant 0 : i32
    %gather3A_262 = tpu.memref_slice %arg8[%gather3A_259, %gather3A_260, %gather3A_261] : memref<2x128x128xf32, #tpu.memory_space<vmem>> -> memref<1x128x128xf32, #tpu.memory_space<vmem>>
    %gather3A_263 = tpu.memref_squeeze %gather3A_262 : memref<1x128x128xf32, #tpu.memory_space<vmem>> -> memref<128x128xf32, #tpu.memory_space<vmem>>
    %gather3A_264 = tpu.vector_load_idx %gather3A_263[%add3A_256, %get3A_258] : memref<128x128xf32, #tpu.memory_space<vmem>>[vector<16xi32>, vector<16xi32>], vector<16xf32>,
    %swap3A_265 = arith.constant 224 : index
    %swap3A_266 = tpu.vector_load %arg9[%swap3A_265] {strides = array<i32>} : memref<512xf32, #tpu.memory_space<vmem>>, vector<16xf32>,
    tpu.vector_store %arg9[%swap3A_265], %gather3A_264 {strides = array<i32>} : memref<512xf32, #tpu.memory_space<vmem>>, vector<16xf32>,
    %iota3A_267 = tpu.iota {dimensions = array<i32: 0>} : vector<16xi32>
    %add3A_268 = arith.constant 112 : i32
    %add3A_269 = vector.broadcast %add3A_268 : i32 to vector<16xi32>
    %add3A_270 = arith.addi %add3A_269, %iota3A_267 : vector<16xi32>
    %get3A_271 = arith.constant 240 : index
    %get3A_272 = tpu.vector_load %arg7[%get3A_271] {strides = array<i32>} : memref<512xi32, #tpu.memory_space<vmem>>, vector<16xi32>,
    %gather3A_273 = arith.constant 1 : i32
    %gather3A_274 = arith.constant 0 : i32
    %gather3A_275 = arith.constant 0 : i32
    %gather3A_276 = tpu.memref_slice %arg8[%gather3A_273, %gather3A_274, %gather3A_275] : memref<2x128x128xf32, #tpu.memory_space<vmem>> -> memref<1x128x128xf32, #tpu.memory_space<vmem>>
    %gather3A_277 = tpu.memref_squeeze %gather3A_276 : memref<1x128x128xf32, #tpu.memory_space<vmem>> -> memref<128x128xf32, #tpu.memory_space<vmem>>
    %gather3A_278 = tpu.vector_load_idx %gather3A_277[%add3A_270, %get3A_272] : memref<128x128xf32, #tpu.memory_space<vmem>>[vector<16xi32>, vector<16xi32>], vector<16xf32>,
    %swap3A_279 = arith.constant 240 : index
    %swap3A_280 = tpu.vector_load %arg9[%swap3A_279] {strides = array<i32>} : memref<512xf32, #tpu.memory_space<vmem>>, vector<16xf32>,
    tpu.vector_store %arg9[%swap3A_279], %gather3A_278 {strides = array<i32>} : memref<512xf32, #tpu.memory_space<vmem>>, vector<16xf32>,
    %dma_start3A_281 = arith.constant 3 : i32
    %dma_start3A_282 = arith.constant 1 : i32
    %dma_start3A_283 = arith.constant 0 : i32
    %dma_start3A_284 = arith.constant 0 : i32
    %dma_start3A_285 = tpu.memref_slice %arg8[%dma_start3A_282, %dma_start3A_283, %dma_start3A_284] : memref<2x128x128xf32, #tpu.memory_space<vmem>> -> memref<1x128x128xf32, #tpu.memory_space<vmem>>
    %dma_start3A_286 = tpu.memref_squeeze %dma_start3A_285 : memref<1x128x128xf32, #tpu.memory_space<vmem>> -> memref<128x128xf32, #tpu.memory_space<vmem>>
    %dma_start3A_287 = arith.constant 0 : i32
    %dma_start3A_288 = tpu.memref_slice %arg6[%dma_start3A_281, %dma_start3A_287] : memref<4x128xi32, #tpu.memory_space<vmem>> -> memref<1x128xi32, #tpu.memory_space<vmem>>
    %dma_start3A_289 = tpu.memref_squeeze %dma_start3A_288 : memref<1x128xi32, #tpu.memory_space<vmem>> -> memref<128xi32, #tpu.memory_space<vmem>>
    %dma_start3A_290 = arith.constant 0 : i32
    %dma_start3A_291 = arith.constant 0 : i32
    %dma_start3A_292 = tpu.memref_slice %arg4[%dma_start3A_290, %dma_start3A_291] : memref<7936x128xf32, #tpu.memory_space<hbm>> -> memref<7936x128xf32, #tpu.memory_space<hbm>>
    tpu.enqueue_indirect_dma source(%dma_start3A_292 : memref<7936x128xf32, #tpu.memory_space<hbm>>) target(%dma_start3A_286 : memref<128x128xf32, #tpu.memory_space<vmem>>) offsets(%dma_start3A_289 : memref<128xi32, #tpu.memory_space<vmem>>) semaphore(%arg11 : memref<!tpu.dma_semaphore, #tpu.memory_space<semaphore_mem>>)
    %dma_wait3A_293 = arith.constant 2 : i32
    %dma_wait3A_294 = arith.constant 0 : i32
    %dma_wait3A_295 = arith.constant 0 : i32
    %dma_wait3A_296 = arith.constant 0 : i32
    %dma_wait3A_297 = tpu.memref_slice %arg8[%dma_wait3A_294, %dma_wait3A_295, %dma_wait3A_296] : memref<2x128x128xf32, #tpu.memory_space<vmem>> -> memref<1x128x128xf32, #tpu.memory_space<vmem>>
    %dma_wait3A_298 = tpu.memref_squeeze %dma_wait3A_297 : memref<1x128x128xf32, #tpu.memory_space<vmem>> -> memref<128x128xf32, #tpu.memory_space<vmem>>
    %dma_wait3A_299 = arith.constant 0 : i32
    %dma_wait3A_300 = tpu.memref_slice %arg6[%dma_wait3A_293, %dma_wait3A_299] : memref<4x128xi32, #tpu.memory_space<vmem>> -> memref<1x128xi32, #tpu.memory_space<vmem>>
    %dma_wait3A_301 = tpu.memref_squeeze %dma_wait3A_300 : memref<1x128xi32, #tpu.memory_space<vmem>> -> memref<128xi32, #tpu.memory_space<vmem>>
    %dma_wait3A_302 = arith.constant 0 : i32
    %dma_wait3A_303 = arith.constant 0 : i32
    %dma_wait3A_304 = tpu.memref_slice %arg4[%dma_wait3A_302, %dma_wait3A_303] : memref<7936x128xf32, #tpu.memory_space<hbm>> -> memref<7936x128xf32, #tpu.memory_space<hbm>>
    tpu.wait_indirect_dma semaphore(%arg11 : memref<!tpu.dma_semaphore, #tpu.memory_space<semaphore_mem>>) src(%dma_wait3A_304 : memref<7936x128xf32, #tpu.memory_space<hbm>>) dst(%dma_wait3A_298 : memref<128x128xf32, #tpu.memory_space<vmem>>)
    %iota3A_305 = tpu.iota {dimensions = array<i32: 0>} : vector<16xi32>
    %add3A_306 = arith.constant 0 : i32
    %add3A_307 = vector.broadcast %add3A_306 : i32 to vector<16xi32>
    %add3A_308 = arith.addi %add3A_307, %iota3A_305 : vector<16xi32>
    %get3A_309 = arith.constant 256 : index
    %get3A_310 = tpu.vector_load %arg7[%get3A_309] {strides = array<i32>} : memref<512xi32, #tpu.memory_space<vmem>>, vector<16xi32>,
    %gather3A_311 = arith.constant 0 : i32
    %gather3A_312 = arith.constant 0 : i32
    %gather3A_313 = arith.constant 0 : i32
    %gather3A_314 = tpu.memref_slice %arg8[%gather3A_311, %gather3A_312, %gather3A_313] : memref<2x128x128xf32, #tpu.memory_space<vmem>> -> memref<1x128x128xf32, #tpu.memory_space<vmem>>
    %gather3A_315 = tpu.memref_squeeze %gather3A_314 : memref<1x128x128xf32, #tpu.memory_space<vmem>> -> memref<128x128xf32, #tpu.memory_space<vmem>>
    %gather3A_316 = tpu.vector_load_idx %gather3A_315[%add3A_308, %get3A_310] : memref<128x128xf32, #tpu.memory_space<vmem>>[vector<16xi32>, vector<16xi32>], vector<16xf32>,
    %swap3A_317 = arith.constant 256 : index
    %swap3A_318 = tpu.vector_load %arg9[%swap3A_317] {strides = array<i32>} : memref<512xf32, #tpu.memory_space<vmem>>, vector<16xf32>,
    tpu.vector_store %arg9[%swap3A_317], %gather3A_316 {strides = array<i32>} : memref<512xf32, #tpu.memory_space<vmem>>, vector<16xf32>,
    %iota3A_319 = tpu.iota {dimensions = array<i32: 0>} : vector<16xi32>
    %add3A_320 = arith.constant 16 : i32
    %add3A_321 = vector.broadcast %add3A_320 : i32 to vector<16xi32>
    %add3A_322 = arith.addi %add3A_321, %iota3A_319 : vector<16xi32>
    %get3A_323 = arith.constant 272 : index
    %get3A_324 = tpu.vector_load %arg7[%get3A_323] {strides = array<i32>} : memref<512xi32, #tpu.memory_space<vmem>>, vector<16xi32>,
    %gather3A_325 = arith.constant 0 : i32
    %gather3A_326 = arith.constant 0 : i32
    %gather3A_327 = arith.constant 0 : i32
    %gather3A_328 = tpu.memref_slice %arg8[%gather3A_325, %gather3A_326, %gather3A_327] : memref<2x128x128xf32, #tpu.memory_space<vmem>> -> memref<1x128x128xf32, #tpu.memory_space<vmem>>
    %gather3A_329 = tpu.memref_squeeze %gather3A_328 : memref<1x128x128xf32, #tpu.memory_space<vmem>> -> memref<128x128xf32, #tpu.memory_space<vmem>>
    %gather3A_330 = tpu.vector_load_idx %gather3A_329[%add3A_322, %get3A_324] : memref<128x128xf32, #tpu.memory_space<vmem>>[vector<16xi32>, vector<16xi32>], vector<16xf32>,
    %swap3A_331 = arith.constant 272 : index
    %swap3A_332 = tpu.vector_load %arg9[%swap3A_331] {strides = array<i32>} : memref<512xf32, #tpu.memory_space<vmem>>, vector<16xf32>,
    tpu.vector_store %arg9[%swap3A_331], %gather3A_330 {strides = array<i32>} : memref<512xf32, #tpu.memory_space<vmem>>, vector<16xf32>,
    %iota3A_333 = tpu.iota {dimensions = array<i32: 0>} : vector<16xi32>
    %add3A_334 = arith.constant 32 : i32
    %add3A_335 = vector.broadcast %add3A_334 : i32 to vector<16xi32>
    %add3A_336 = arith.addi %add3A_335, %iota3A_333 : vector<16xi32>
    %get3A_337 = arith.constant 288 : index
    %get3A_338 = tpu.vector_load %arg7[%get3A_337] {strides = array<i32>} : memref<512xi32, #tpu.memory_space<vmem>>, vector<16xi32>,
    %gather3A_339 = arith.constant 0 : i32
    %gather3A_340 = arith.constant 0 : i32
    %gather3A_341 = arith.constant 0 : i32
    %gather3A_342 = tpu.memref_slice %arg8[%gather3A_339, %gather3A_340, %gather3A_341] : memref<2x128x128xf32, #tpu.memory_space<vmem>> -> memref<1x128x128xf32, #tpu.memory_space<vmem>>
    %gather3A_343 = tpu.memref_squeeze %gather3A_342 : memref<1x128x128xf32, #tpu.memory_space<vmem>> -> memref<128x128xf32, #tpu.memory_space<vmem>>
    %gather3A_344 = tpu.vector_load_idx %gather3A_343[%add3A_336, %get3A_338] : memref<128x128xf32, #tpu.memory_space<vmem>>[vector<16xi32>, vector<16xi32>], vector<16xf32>,
    %swap3A_345 = arith.constant 288 : index
    %swap3A_346 = tpu.vector_load %arg9[%swap3A_345] {strides = array<i32>} : memref<512xf32, #tpu.memory_space<vmem>>, vector<16xf32>,
    tpu.vector_store %arg9[%swap3A_345], %gather3A_344 {strides = array<i32>} : memref<512xf32, #tpu.memory_space<vmem>>, vector<16xf32>,
    %iota3A_347 = tpu.iota {dimensions = array<i32: 0>} : vector<16xi32>
    %add3A_348 = arith.constant 48 : i32
    %add3A_349 = vector.broadcast %add3A_348 : i32 to vector<16xi32>
    %add3A_350 = arith.addi %add3A_349, %iota3A_347 : vector<16xi32>
    %get3A_351 = arith.constant 304 : index
    %get3A_352 = tpu.vector_load %arg7[%get3A_351] {strides = array<i32>} : memref<512xi32, #tpu.memory_space<vmem>>, vector<16xi32>,
    %gather3A_353 = arith.constant 0 : i32
    %gather3A_354 = arith.constant 0 : i32
    %gather3A_355 = arith.constant 0 : i32
    %gather3A_356 = tpu.memref_slice %arg8[%gather3A_353, %gather3A_354, %gather3A_355] : memref<2x128x128xf32, #tpu.memory_space<vmem>> -> memref<1x128x128xf32, #tpu.memory_space<vmem>>
    %gather3A_357 = tpu.memref_squeeze %gather3A_356 : memref<1x128x128xf32, #tpu.memory_space<vmem>> -> memref<128x128xf32, #tpu.memory_space<vmem>>
    %gather3A_358 = tpu.vector_load_idx %gather3A_357[%add3A_350, %get3A_352] : memref<128x128xf32, #tpu.memory_space<vmem>>[vector<16xi32>, vector<16xi32>], vector<16xf32>,
    %swap3A_359 = arith.constant 304 : index
    %swap3A_360 = tpu.vector_load %arg9[%swap3A_359] {strides = array<i32>} : memref<512xf32, #tpu.memory_space<vmem>>, vector<16xf32>,
    tpu.vector_store %arg9[%swap3A_359], %gather3A_358 {strides = array<i32>} : memref<512xf32, #tpu.memory_space<vmem>>, vector<16xf32>,
    %iota3A_361 = tpu.iota {dimensions = array<i32: 0>} : vector<16xi32>
    %add3A_362 = arith.constant 64 : i32
    %add3A_363 = vector.broadcast %add3A_362 : i32 to vector<16xi32>
    %add3A_364 = arith.addi %add3A_363, %iota3A_361 : vector<16xi32>
    %get3A_365 = arith.constant 320 : index
    %get3A_366 = tpu.vector_load %arg7[%get3A_365] {strides = array<i32>} : memref<512xi32, #tpu.memory_space<vmem>>, vector<16xi32>,
    %gather3A_367 = arith.constant 0 : i32
    %gather3A_368 = arith.constant 0 : i32
    %gather3A_369 = arith.constant 0 : i32
    %gather3A_370 = tpu.memref_slice %arg8[%gather3A_367, %gather3A_368, %gather3A_369] : memref<2x128x128xf32, #tpu.memory_space<vmem>> -> memref<1x128x128xf32, #tpu.memory_space<vmem>>
    %gather3A_371 = tpu.memref_squeeze %gather3A_370 : memref<1x128x128xf32, #tpu.memory_space<vmem>> -> memref<128x128xf32, #tpu.memory_space<vmem>>
    %gather3A_372 = tpu.vector_load_idx %gather3A_371[%add3A_364, %get3A_366] : memref<128x128xf32, #tpu.memory_space<vmem>>[vector<16xi32>, vector<16xi32>], vector<16xf32>,
    %swap3A_373 = arith.constant 320 : index
    %swap3A_374 = tpu.vector_load %arg9[%swap3A_373] {strides = array<i32>} : memref<512xf32, #tpu.memory_space<vmem>>, vector<16xf32>,
    tpu.vector_store %arg9[%swap3A_373], %gather3A_372 {strides = array<i32>} : memref<512xf32, #tpu.memory_space<vmem>>, vector<16xf32>,
    %iota3A_375 = tpu.iota {dimensions = array<i32: 0>} : vector<16xi32>
    %add3A_376 = arith.constant 80 : i32
    %add3A_377 = vector.broadcast %add3A_376 : i32 to vector<16xi32>
    %add3A_378 = arith.addi %add3A_377, %iota3A_375 : vector<16xi32>
    %get3A_379 = arith.constant 336 : index
    %get3A_380 = tpu.vector_load %arg7[%get3A_379] {strides = array<i32>} : memref<512xi32, #tpu.memory_space<vmem>>, vector<16xi32>,
    %gather3A_381 = arith.constant 0 : i32
    %gather3A_382 = arith.constant 0 : i32
    %gather3A_383 = arith.constant 0 : i32
    %gather3A_384 = tpu.memref_slice %arg8[%gather3A_381, %gather3A_382, %gather3A_383] : memref<2x128x128xf32, #tpu.memory_space<vmem>> -> memref<1x128x128xf32, #tpu.memory_space<vmem>>
    %gather3A_385 = tpu.memref_squeeze %gather3A_384 : memref<1x128x128xf32, #tpu.memory_space<vmem>> -> memref<128x128xf32, #tpu.memory_space<vmem>>
    %gather3A_386 = tpu.vector_load_idx %gather3A_385[%add3A_378, %get3A_380] : memref<128x128xf32, #tpu.memory_space<vmem>>[vector<16xi32>, vector<16xi32>], vector<16xf32>,
    %swap3A_387 = arith.constant 336 : index
    %swap3A_388 = tpu.vector_load %arg9[%swap3A_387] {strides = array<i32>} : memref<512xf32, #tpu.memory_space<vmem>>, vector<16xf32>,
    tpu.vector_store %arg9[%swap3A_387], %gather3A_386 {strides = array<i32>} : memref<512xf32, #tpu.memory_space<vmem>>, vector<16xf32>,
    %iota3A_389 = tpu.iota {dimensions = array<i32: 0>} : vector<16xi32>
    %add3A_390 = arith.constant 96 : i32
    %add3A_391 = vector.broadcast %add3A_390 : i32 to vector<16xi32>
    %add3A_392 = arith.addi %add3A_391, %iota3A_389 : vector<16xi32>
    %get3A_393 = arith.constant 352 : index
    %get3A_394 = tpu.vector_load %arg7[%get3A_393] {strides = array<i32>} : memref<512xi32, #tpu.memory_space<vmem>>, vector<16xi32>,
    %gather3A_395 = arith.constant 0 : i32
    %gather3A_396 = arith.constant 0 : i32
    %gather3A_397 = arith.constant 0 : i32
    %gather3A_398 = tpu.memref_slice %arg8[%gather3A_395, %gather3A_396, %gather3A_397] : memref<2x128x128xf32, #tpu.memory_space<vmem>> -> memref<1x128x128xf32, #tpu.memory_space<vmem>>
    %gather3A_399 = tpu.memref_squeeze %gather3A_398 : memref<1x128x128xf32, #tpu.memory_space<vmem>> -> memref<128x128xf32, #tpu.memory_space<vmem>>
    %gather3A_400 = tpu.vector_load_idx %gather3A_399[%add3A_392, %get3A_394] : memref<128x128xf32, #tpu.memory_space<vmem>>[vector<16xi32>, vector<16xi32>], vector<16xf32>,
    %swap3A_401 = arith.constant 352 : index
    %swap3A_402 = tpu.vector_load %arg9[%swap3A_401] {strides = array<i32>} : memref<512xf32, #tpu.memory_space<vmem>>, vector<16xf32>,
    tpu.vector_store %arg9[%swap3A_401], %gather3A_400 {strides = array<i32>} : memref<512xf32, #tpu.memory_space<vmem>>, vector<16xf32>,
    %iota3A_403 = tpu.iota {dimensions = array<i32: 0>} : vector<16xi32>
    %add3A_404 = arith.constant 112 : i32
    %add3A_405 = vector.broadcast %add3A_404 : i32 to vector<16xi32>
    %add3A_406 = arith.addi %add3A_405, %iota3A_403 : vector<16xi32>
    %get3A_407 = arith.constant 368 : index
    %get3A_408 = tpu.vector_load %arg7[%get3A_407] {strides = array<i32>} : memref<512xi32, #tpu.memory_space<vmem>>, vector<16xi32>,
    %gather3A_409 = arith.constant 0 : i32
    %gather3A_410 = arith.constant 0 : i32
    %gather3A_411 = arith.constant 0 : i32
    %gather3A_412 = tpu.memref_slice %arg8[%gather3A_409, %gather3A_410, %gather3A_411] : memref<2x128x128xf32, #tpu.memory_space<vmem>> -> memref<1x128x128xf32, #tpu.memory_space<vmem>>
    %gather3A_413 = tpu.memref_squeeze %gather3A_412 : memref<1x128x128xf32, #tpu.memory_space<vmem>> -> memref<128x128xf32, #tpu.memory_space<vmem>>
    %gather3A_414 = tpu.vector_load_idx %gather3A_413[%add3A_406, %get3A_408] : memref<128x128xf32, #tpu.memory_space<vmem>>[vector<16xi32>, vector<16xi32>], vector<16xf32>,
    %swap3A_415 = arith.constant 368 : index
    %swap3A_416 = tpu.vector_load %arg9[%swap3A_415] {strides = array<i32>} : memref<512xf32, #tpu.memory_space<vmem>>, vector<16xf32>,
    tpu.vector_store %arg9[%swap3A_415], %gather3A_414 {strides = array<i32>} : memref<512xf32, #tpu.memory_space<vmem>>, vector<16xf32>,
    %dma_wait3A_417 = arith.constant 3 : i32
    %dma_wait3A_418 = arith.constant 1 : i32
    %dma_wait3A_419 = arith.constant 0 : i32
    %dma_wait3A_420 = arith.constant 0 : i32
    %dma_wait3A_421 = tpu.memref_slice %arg8[%dma_wait3A_418, %dma_wait3A_419, %dma_wait3A_420] : memref<2x128x128xf32, #tpu.memory_space<vmem>> -> memref<1x128x128xf32, #tpu.memory_space<vmem>>
    %dma_wait3A_422 = tpu.memref_squeeze %dma_wait3A_421 : memref<1x128x128xf32, #tpu.memory_space<vmem>> -> memref<128x128xf32, #tpu.memory_space<vmem>>
    %dma_wait3A_423 = arith.constant 0 : i32
    %dma_wait3A_424 = tpu.memref_slice %arg6[%dma_wait3A_417, %dma_wait3A_423] : memref<4x128xi32, #tpu.memory_space<vmem>> -> memref<1x128xi32, #tpu.memory_space<vmem>>
    %dma_wait3A_425 = tpu.memref_squeeze %dma_wait3A_424 : memref<1x128xi32, #tpu.memory_space<vmem>> -> memref<128xi32, #tpu.memory_space<vmem>>
    %dma_wait3A_426 = arith.constant 0 : i32
    %dma_wait3A_427 = arith.constant 0 : i32
    %dma_wait3A_428 = tpu.memref_slice %arg4[%dma_wait3A_426, %dma_wait3A_427] : memref<7936x128xf32, #tpu.memory_space<hbm>> -> memref<7936x128xf32, #tpu.memory_space<hbm>>
    tpu.wait_indirect_dma semaphore(%arg11 : memref<!tpu.dma_semaphore, #tpu.memory_space<semaphore_mem>>) src(%dma_wait3A_428 : memref<7936x128xf32, #tpu.memory_space<hbm>>) dst(%dma_wait3A_422 : memref<128x128xf32, #tpu.memory_space<vmem>>)
    %iota3A_429 = tpu.iota {dimensions = array<i32: 0>} : vector<16xi32>
    %add3A_430 = arith.constant 0 : i32
    %add3A_431 = vector.broadcast %add3A_430 : i32 to vector<16xi32>
    %add3A_432 = arith.addi %add3A_431, %iota3A_429 : vector<16xi32>
    %get3A_433 = arith.constant 384 : index
    %get3A_434 = tpu.vector_load %arg7[%get3A_433] {strides = array<i32>} : memref<512xi32, #tpu.memory_space<vmem>>, vector<16xi32>,
    %gather3A_435 = arith.constant 1 : i32
    %gather3A_436 = arith.constant 0 : i32
    %gather3A_437 = arith.constant 0 : i32
    %gather3A_438 = tpu.memref_slice %arg8[%gather3A_435, %gather3A_436, %gather3A_437] : memref<2x128x128xf32, #tpu.memory_space<vmem>> -> memref<1x128x128xf32, #tpu.memory_space<vmem>>
    %gather3A_439 = tpu.memref_squeeze %gather3A_438 : memref<1x128x128xf32, #tpu.memory_space<vmem>> -> memref<128x128xf32, #tpu.memory_space<vmem>>
    %gather3A_440 = tpu.vector_load_idx %gather3A_439[%add3A_432, %get3A_434] : memref<128x128xf32, #tpu.memory_space<vmem>>[vector<16xi32>, vector<16xi32>], vector<16xf32>,
    %swap3A_441 = arith.constant 384 : index
    %swap3A_442 = tpu.vector_load %arg9[%swap3A_441] {strides = array<i32>} : memref<512xf32, #tpu.memory_space<vmem>>, vector<16xf32>,
    tpu.vector_store %arg9[%swap3A_441], %gather3A_440 {strides = array<i32>} : memref<512xf32, #tpu.memory_space<vmem>>, vector<16xf32>,
    %iota3A_443 = tpu.iota {dimensions = array<i32: 0>} : vector<16xi32>
    %add3A_444 = arith.constant 16 : i32
    %add3A_445 = vector.broadcast %add3A_444 : i32 to vector<16xi32>
    %add3A_446 = arith.addi %add3A_445, %iota3A_443 : vector<16xi32>
    %get3A_447 = arith.constant 400 : index
    %get3A_448 = tpu.vector_load %arg7[%get3A_447] {strides = array<i32>} : memref<512xi32, #tpu.memory_space<vmem>>, vector<16xi32>,
    %gather3A_449 = arith.constant 1 : i32
    %gather3A_450 = arith.constant 0 : i32
    %gather3A_451 = arith.constant 0 : i32
    %gather3A_452 = tpu.memref_slice %arg8[%gather3A_449, %gather3A_450, %gather3A_451] : memref<2x128x128xf32, #tpu.memory_space<vmem>> -> memref<1x128x128xf32, #tpu.memory_space<vmem>>
    %gather3A_453 = tpu.memref_squeeze %gather3A_452 : memref<1x128x128xf32, #tpu.memory_space<vmem>> -> memref<128x128xf32, #tpu.memory_space<vmem>>
    %gather3A_454 = tpu.vector_load_idx %gather3A_453[%add3A_446, %get3A_448] : memref<128x128xf32, #tpu.memory_space<vmem>>[vector<16xi32>, vector<16xi32>], vector<16xf32>,
    %swap3A_455 = arith.constant 400 : index
    %swap3A_456 = tpu.vector_load %arg9[%swap3A_455] {strides = array<i32>} : memref<512xf32, #tpu.memory_space<vmem>>, vector<16xf32>,
    tpu.vector_store %arg9[%swap3A_455], %gather3A_454 {strides = array<i32>} : memref<512xf32, #tpu.memory_space<vmem>>, vector<16xf32>,
    %iota3A_457 = tpu.iota {dimensions = array<i32: 0>} : vector<16xi32>
    %add3A_458 = arith.constant 32 : i32
    %add3A_459 = vector.broadcast %add3A_458 : i32 to vector<16xi32>
    %add3A_460 = arith.addi %add3A_459, %iota3A_457 : vector<16xi32>
    %get3A_461 = arith.constant 416 : index
    %get3A_462 = tpu.vector_load %arg7[%get3A_461] {strides = array<i32>} : memref<512xi32, #tpu.memory_space<vmem>>, vector<16xi32>,
    %gather3A_463 = arith.constant 1 : i32
    %gather3A_464 = arith.constant 0 : i32
    %gather3A_465 = arith.constant 0 : i32
    %gather3A_466 = tpu.memref_slice %arg8[%gather3A_463, %gather3A_464, %gather3A_465] : memref<2x128x128xf32, #tpu.memory_space<vmem>> -> memref<1x128x128xf32, #tpu.memory_space<vmem>>
    %gather3A_467 = tpu.memref_squeeze %gather3A_466 : memref<1x128x128xf32, #tpu.memory_space<vmem>> -> memref<128x128xf32, #tpu.memory_space<vmem>>
    %gather3A_468 = tpu.vector_load_idx %gather3A_467[%add3A_460, %get3A_462] : memref<128x128xf32, #tpu.memory_space<vmem>>[vector<16xi32>, vector<16xi32>], vector<16xf32>,
    %swap3A_469 = arith.constant 416 : index
    %swap3A_470 = tpu.vector_load %arg9[%swap3A_469] {strides = array<i32>} : memref<512xf32, #tpu.memory_space<vmem>>, vector<16xf32>,
    tpu.vector_store %arg9[%swap3A_469], %gather3A_468 {strides = array<i32>} : memref<512xf32, #tpu.memory_space<vmem>>, vector<16xf32>,
    %iota3A_471 = tpu.iota {dimensions = array<i32: 0>} : vector<16xi32>
    %add3A_472 = arith.constant 48 : i32
    %add3A_473 = vector.broadcast %add3A_472 : i32 to vector<16xi32>
    %add3A_474 = arith.addi %add3A_473, %iota3A_471 : vector<16xi32>
    %get3A_475 = arith.constant 432 : index
    %get3A_476 = tpu.vector_load %arg7[%get3A_475] {strides = array<i32>} : memref<512xi32, #tpu.memory_space<vmem>>, vector<16xi32>,
    %gather3A_477 = arith.constant 1 : i32
    %gather3A_478 = arith.constant 0 : i32
    %gather3A_479 = arith.constant 0 : i32
    %gather3A_480 = tpu.memref_slice %arg8[%gather3A_477, %gather3A_478, %gather3A_479] : memref<2x128x128xf32, #tpu.memory_space<vmem>> -> memref<1x128x128xf32, #tpu.memory_space<vmem>>
    %gather3A_481 = tpu.memref_squeeze %gather3A_480 : memref<1x128x128xf32, #tpu.memory_space<vmem>> -> memref<128x128xf32, #tpu.memory_space<vmem>>
    %gather3A_482 = tpu.vector_load_idx %gather3A_481[%add3A_474, %get3A_476] : memref<128x128xf32, #tpu.memory_space<vmem>>[vector<16xi32>, vector<16xi32>], vector<16xf32>,
    %swap3A_483 = arith.constant 432 : index
    %swap3A_484 = tpu.vector_load %arg9[%swap3A_483] {strides = array<i32>} : memref<512xf32, #tpu.memory_space<vmem>>, vector<16xf32>,
    tpu.vector_store %arg9[%swap3A_483], %gather3A_482 {strides = array<i32>} : memref<512xf32, #tpu.memory_space<vmem>>, vector<16xf32>,
    %iota3A_485 = tpu.iota {dimensions = array<i32: 0>} : vector<16xi32>
    %add3A_486 = arith.constant 64 : i32
    %add3A_487 = vector.broadcast %add3A_486 : i32 to vector<16xi32>
    %add3A_488 = arith.addi %add3A_487, %iota3A_485 : vector<16xi32>
    %get3A_489 = arith.constant 448 : index
    %get3A_490 = tpu.vector_load %arg7[%get3A_489] {strides = array<i32>} : memref<512xi32, #tpu.memory_space<vmem>>, vector<16xi32>,
    %gather3A_491 = arith.constant 1 : i32
    %gather3A_492 = arith.constant 0 : i32
    %gather3A_493 = arith.constant 0 : i32
    %gather3A_494 = tpu.memref_slice %arg8[%gather3A_491, %gather3A_492, %gather3A_493] : memref<2x128x128xf32, #tpu.memory_space<vmem>> -> memref<1x128x128xf32, #tpu.memory_space<vmem>>
    %gather3A_495 = tpu.memref_squeeze %gather3A_494 : memref<1x128x128xf32, #tpu.memory_space<vmem>> -> memref<128x128xf32, #tpu.memory_space<vmem>>
    %gather3A_496 = tpu.vector_load_idx %gather3A_495[%add3A_488, %get3A_490] : memref<128x128xf32, #tpu.memory_space<vmem>>[vector<16xi32>, vector<16xi32>], vector<16xf32>,
    %swap3A_497 = arith.constant 448 : index
    %swap3A_498 = tpu.vector_load %arg9[%swap3A_497] {strides = array<i32>} : memref<512xf32, #tpu.memory_space<vmem>>, vector<16xf32>,
    tpu.vector_store %arg9[%swap3A_497], %gather3A_496 {strides = array<i32>} : memref<512xf32, #tpu.memory_space<vmem>>, vector<16xf32>,
    %iota3A_499 = tpu.iota {dimensions = array<i32: 0>} : vector<16xi32>
    %add3A_500 = arith.constant 80 : i32
    %add3A_501 = vector.broadcast %add3A_500 : i32 to vector<16xi32>
    %add3A_502 = arith.addi %add3A_501, %iota3A_499 : vector<16xi32>
    %get3A_503 = arith.constant 464 : index
    %get3A_504 = tpu.vector_load %arg7[%get3A_503] {strides = array<i32>} : memref<512xi32, #tpu.memory_space<vmem>>, vector<16xi32>,
    %gather3A_505 = arith.constant 1 : i32
    %gather3A_506 = arith.constant 0 : i32
    %gather3A_507 = arith.constant 0 : i32
    %gather3A_508 = tpu.memref_slice %arg8[%gather3A_505, %gather3A_506, %gather3A_507] : memref<2x128x128xf32, #tpu.memory_space<vmem>> -> memref<1x128x128xf32, #tpu.memory_space<vmem>>
    %gather3A_509 = tpu.memref_squeeze %gather3A_508 : memref<1x128x128xf32, #tpu.memory_space<vmem>> -> memref<128x128xf32, #tpu.memory_space<vmem>>
    %gather3A_510 = tpu.vector_load_idx %gather3A_509[%add3A_502, %get3A_504] : memref<128x128xf32, #tpu.memory_space<vmem>>[vector<16xi32>, vector<16xi32>], vector<16xf32>,
    %swap3A_511 = arith.constant 464 : index
    %swap3A_512 = tpu.vector_load %arg9[%swap3A_511] {strides = array<i32>} : memref<512xf32, #tpu.memory_space<vmem>>, vector<16xf32>,
    tpu.vector_store %arg9[%swap3A_511], %gather3A_510 {strides = array<i32>} : memref<512xf32, #tpu.memory_space<vmem>>, vector<16xf32>,
    %iota3A_513 = tpu.iota {dimensions = array<i32: 0>} : vector<16xi32>
    %add3A_514 = arith.constant 96 : i32
    %add3A_515 = vector.broadcast %add3A_514 : i32 to vector<16xi32>
    %add3A_516 = arith.addi %add3A_515, %iota3A_513 : vector<16xi32>
    %get3A_517 = arith.constant 480 : index
    %get3A_518 = tpu.vector_load %arg7[%get3A_517] {strides = array<i32>} : memref<512xi32, #tpu.memory_space<vmem>>, vector<16xi32>,
    %gather3A_519 = arith.constant 1 : i32
    %gather3A_520 = arith.constant 0 : i32
    %gather3A_521 = arith.constant 0 : i32
    %gather3A_522 = tpu.memref_slice %arg8[%gather3A_519, %gather3A_520, %gather3A_521] : memref<2x128x128xf32, #tpu.memory_space<vmem>> -> memref<1x128x128xf32, #tpu.memory_space<vmem>>
    %gather3A_523 = tpu.memref_squeeze %gather3A_522 : memref<1x128x128xf32, #tpu.memory_space<vmem>> -> memref<128x128xf32, #tpu.memory_space<vmem>>
    %gather3A_524 = tpu.vector_load_idx %gather3A_523[%add3A_516, %get3A_518] : memref<128x128xf32, #tpu.memory_space<vmem>>[vector<16xi32>, vector<16xi32>], vector<16xf32>,
    %swap3A_525 = arith.constant 480 : index
    %swap3A_526 = tpu.vector_load %arg9[%swap3A_525] {strides = array<i32>} : memref<512xf32, #tpu.memory_space<vmem>>, vector<16xf32>,
    tpu.vector_store %arg9[%swap3A_525], %gather3A_524 {strides = array<i32>} : memref<512xf32, #tpu.memory_space<vmem>>, vector<16xf32>,
    %iota3A_527 = tpu.iota {dimensions = array<i32: 0>} : vector<16xi32>
    %add3A_528 = arith.constant 112 : i32
    %add3A_529 = vector.broadcast %add3A_528 : i32 to vector<16xi32>
    %add3A_530 = arith.addi %add3A_529, %iota3A_527 : vector<16xi32>
    %get3A_531 = arith.constant 496 : index
    %get3A_532 = tpu.vector_load %arg7[%get3A_531] {strides = array<i32>} : memref<512xi32, #tpu.memory_space<vmem>>, vector<16xi32>,
    %gather3A_533 = arith.constant 1 : i32
    %gather3A_534 = arith.constant 0 : i32
    %gather3A_535 = arith.constant 0 : i32
    %gather3A_536 = tpu.memref_slice %arg8[%gather3A_533, %gather3A_534, %gather3A_535] : memref<2x128x128xf32, #tpu.memory_space<vmem>> -> memref<1x128x128xf32, #tpu.memory_space<vmem>>
    %gather3A_537 = tpu.memref_squeeze %gather3A_536 : memref<1x128x128xf32, #tpu.memory_space<vmem>> -> memref<128x128xf32, #tpu.memory_space<vmem>>
    %gather3A_538 = tpu.vector_load_idx %gather3A_537[%add3A_530, %get3A_532] : memref<128x128xf32, #tpu.memory_space<vmem>>[vector<16xi32>, vector<16xi32>], vector<16xf32>,
    %swap3A_539 = arith.constant 496 : index
    %swap3A_540 = tpu.vector_load %arg9[%swap3A_539] {strides = array<i32>} : memref<512xf32, #tpu.memory_space<vmem>>, vector<16xf32>,
    tpu.vector_store %arg9[%swap3A_539], %gather3A_538 {strides = array<i32>} : memref<512xf32, #tpu.memory_space<vmem>>, vector<16xf32>,
    "tpu.region"() ({
      %run_scoped3A = tpu.sem_alloc : memref<!tpu.dma_semaphore, #tpu.memory_space<semaphore_mem>>
      %dma_start3A_541 = tpu.memref_slice %arg5[%mul3A_2] : memref<16384xf32, #tpu.memory_space<hbm>> -> memref<512xf32, #tpu.memory_space<hbm>>
      %dma_start3A_542 = tpu.memref_slice %arg5[%mul3A_2] : memref<16384xf32, #tpu.memory_space<hbm>> -> memref<512xf32, #tpu.memory_space<hbm>>
      tpu.enqueue_dma source(%arg9 : memref<512xf32, #tpu.memory_space<vmem>>) target(%dma_start3A_542 : memref<512xf32, #tpu.memory_space<hbm>>) target_semaphore(%run_scoped3A : memref<!tpu.dma_semaphore, #tpu.memory_space<semaphore_mem>>)
      %dma_wait3A_543 = tpu.memref_slice %arg5[%mul3A_2] : memref<16384xf32, #tpu.memory_space<hbm>> -> memref<512xf32, #tpu.memory_space<hbm>>
      %dma_wait3A_544 = tpu.memref_slice %arg5[%mul3A_2] : memref<16384xf32, #tpu.memory_space<hbm>> -> memref<512xf32, #tpu.memory_space<hbm>>
      tpu.wait_dma2 semaphore(%run_scoped3A : memref<!tpu.dma_semaphore, #tpu.memory_space<semaphore_mem>>) src(%arg9 : memref<512xf32, #tpu.memory_space<vmem>>) dst(%dma_wait3A_544 : memref<512xf32, #tpu.memory_space<hbm>>)
      tpu.yield
    }) : () -> ()
    return
  }
}

#map = affine_map<(d0, d1) -> (0, 0, 0)>
#map1 = affine_map<(d0, d1) -> (0)>
#map2 = affine_map<(d0, d1) -> (0, 0)>
module attributes {stable_mosaic.version = 14 : i64} {
  func.func @_sc_gather(%arg0: i32, %arg1: i32, %arg2: memref<32x4x128xi32, #tpu.memory_space<hbm>>, %arg3: memref<16384xi32, #tpu.memory_space<hbm>>, %arg4: memref<7936x128xf32, #tpu.memory_space<hbm>>, %arg5: memref<16384xf32, #tpu.memory_space<hbm>>, %arg6: memref<4x128xi32, #tpu.memory_space<vmem>>, %arg7: memref<512xi32, #tpu.memory_space<vmem>>, %arg8: memref<2x128x128xf32, #tpu.memory_space<vmem>>, %arg9: memref<512xf32, #tpu.memory_space<vmem>>, %arg10: memref<!tpu.dma_semaphore, #tpu.memory_space<semaphore_mem>>, %arg11: memref<!tpu.dma_semaphore, #tpu.memory_space<semaphore_mem>>) attributes {dimension_semantics = [#tpu.dimension_semantics<core_parallel>, #tpu.dimension_semantics<subcore_parallel>], iteration_bounds = array<i64: 2, 16>, scalar_prefetch = 0 : i64, scratch_operands = 6 : i64, tpu.core_type = #tpu.core_type<sc_vector_subcore>, window_params = [{transform_indices = #map}, {transform_indices = #map1}, {transform_indices = #map2}, {transform_indices = #map1}]} {
    %mul3A = arith.constant 2 : i32
    %mul3A_0 = arith.muli %arg1, %mul3A : i32
    %add3A = arith.addi %mul3A_0, %arg0 : i32
    %mul3A_1 = arith.constant 512 : i32
    %mul3A_2 = arith.muli %add3A, %mul3A_1 : i32
    "tpu.region"() ({
      %run_scoped3A = tpu.sem_alloc : memref<!tpu.dma_semaphore, #tpu.memory_space<semaphore_mem>>
      %dma_start3A_541 = arith.constant 0 : i32
      %dma_start3A_542 = arith.constant 0 : i32
      %dma_start3A_543 = tpu.memref_slice %arg2[%add3A, %dma_start3A_541, %dma_start3A_542] : memref<32x4x128xi32, #tpu.memory_space<hbm>> -> memref<1x4x128xi32, #tpu.memory_space<hbm>>
      %dma_start3A_544 = tpu.memref_squeeze %dma_start3A_543 : memref<1x4x128xi32, #tpu.memory_space<hbm>> -> memref<4x128xi32, #tpu.memory_space<hbm>>
      %dma_start3A_545 = arith.constant 0 : i32
      %dma_start3A_546 = arith.constant 0 : i32
      %dma_start3A_547 = tpu.memref_slice %arg2[%add3A, %dma_start3A_545, %dma_start3A_546] : memref<32x4x128xi32, #tpu.memory_space<hbm>> -> memref<1x4x128xi32, #tpu.memory_space<hbm>>
      %dma_start3A_548 = tpu.memref_squeeze %dma_start3A_547 : memref<1x4x128xi32, #tpu.memory_space<hbm>> -> memref<4x128xi32, #tpu.memory_space<hbm>>
      tpu.enqueue_dma source(%dma_start3A_548 : memref<4x128xi32, #tpu.memory_space<hbm>>) target(%arg6 : memref<4x128xi32, #tpu.memory_space<vmem>>) target_semaphore(%run_scoped3A : memref<!tpu.dma_semaphore, #tpu.memory_space<semaphore_mem>>)
      %dma_wait3A_549 = arith.constant 0 : i32
      %dma_wait3A_550 = arith.constant 0 : i32
      %dma_wait3A_551 = tpu.memref_slice %arg2[%add3A, %dma_wait3A_549, %dma_wait3A_550] : memref<32x4x128xi32, #tpu.memory_space<hbm>> -> memref<1x4x128xi32, #tpu.memory_space<hbm>>
      %dma_wait3A_552 = tpu.memref_squeeze %dma_wait3A_551 : memref<1x4x128xi32, #tpu.memory_space<hbm>> -> memref<4x128xi32, #tpu.memory_space<hbm>>
      %dma_wait3A_553 = arith.constant 0 : i32
      %dma_wait3A_554 = arith.constant 0 : i32
      %dma_wait3A_555 = tpu.memref_slice %arg2[%add3A, %dma_wait3A_553, %dma_wait3A_554] : memref<32x4x128xi32, #tpu.memory_space<hbm>> -> memref<1x4x128xi32, #tpu.memory_space<hbm>>
      %dma_wait3A_556 = tpu.memref_squeeze %dma_wait3A_555 : memref<1x4x128xi32, #tpu.memory_space<hbm>> -> memref<4x128xi32, #tpu.memory_space<hbm>>
      tpu.wait_dma2 semaphore(%run_scoped3A : memref<!tpu.dma_semaphore, #tpu.memory_space<semaphore_mem>>) src(%dma_wait3A_556 : memref<4x128xi32, #tpu.memory_space<hbm>>) dst(%arg6 : memref<4x128xi32, #tpu.memory_space<vmem>>)
      tpu.yield
    }) : () -> ()
    "tpu.region"() ({
      %run_scoped3A = tpu.sem_alloc : memref<!tpu.dma_semaphore, #tpu.memory_space<semaphore_mem>>
      %dma_start3A_541 = tpu.memref_slice %arg3[%mul3A_2] : memref<16384xi32, #tpu.memory_space<hbm>> -> memref<512xi32, #tpu.memory_space<hbm>>
      %dma_start3A_542 = tpu.memref_slice %arg3[%mul3A_2] : memref<16384xi32, #tpu.memory_space<hbm>> -> memref<512xi32, #tpu.memory_space<hbm>>
      tpu.enqueue_dma source(%dma_start3A_542 : memref<512xi32, #tpu.memory_space<hbm>>) target(%arg7 : memref<512xi32, #tpu.memory_space<vmem>>) target_semaphore(%run_scoped3A : memref<!tpu.dma_semaphore, #tpu.memory_space<semaphore_mem>>)
      %dma_wait3A_543 = tpu.memref_slice %arg3[%mul3A_2] : memref<16384xi32, #tpu.memory_space<hbm>> -> memref<512xi32, #tpu.memory_space<hbm>>
      %dma_wait3A_544 = tpu.memref_slice %arg3[%mul3A_2] : memref<16384xi32, #tpu.memory_space<hbm>> -> memref<512xi32, #tpu.memory_space<hbm>>
      tpu.wait_dma2 semaphore(%run_scoped3A : memref<!tpu.dma_semaphore, #tpu.memory_space<semaphore_mem>>) src(%dma_wait3A_544 : memref<512xi32, #tpu.memory_space<hbm>>) dst(%arg7 : memref<512xi32, #tpu.memory_space<vmem>>)
      tpu.yield
    }) : () -> ()
    %dma_start3A = arith.constant 0 : i32
    %dma_start3A_3 = arith.constant 0 : i32
    %dma_start3A_4 = arith.constant 0 : i32
    %dma_start3A_5 = arith.constant 0 : i32
    %dma_start3A_6 = tpu.memref_slice %arg8[%dma_start3A_3, %dma_start3A_4, %dma_start3A_5] : memref<2x128x128xf32, #tpu.memory_space<vmem>> -> memref<1x128x128xf32, #tpu.memory_space<vmem>>
    %dma_start3A_7 = tpu.memref_squeeze %dma_start3A_6 : memref<1x128x128xf32, #tpu.memory_space<vmem>> -> memref<128x128xf32, #tpu.memory_space<vmem>>
    %dma_start3A_8 = arith.constant 0 : i32
    %dma_start3A_9 = tpu.memref_slice %arg6[%dma_start3A, %dma_start3A_8] : memref<4x128xi32, #tpu.memory_space<vmem>> -> memref<1x128xi32, #tpu.memory_space<vmem>>
    %dma_start3A_10 = tpu.memref_squeeze %dma_start3A_9 : memref<1x128xi32, #tpu.memory_space<vmem>> -> memref<128xi32, #tpu.memory_space<vmem>>
    %dma_start3A_11 = arith.constant 0 : i32
    %dma_start3A_12 = arith.constant 0 : i32
    %dma_start3A_13 = tpu.memref_slice %arg4[%dma_start3A_11, %dma_start3A_12] : memref<7936x128xf32, #tpu.memory_space<hbm>> -> memref<7936x128xf32, #tpu.memory_space<hbm>>
    tpu.enqueue_indirect_dma source(%dma_start3A_13 : memref<7936x128xf32, #tpu.memory_space<hbm>>) target(%dma_start3A_7 : memref<128x128xf32, #tpu.memory_space<vmem>>) offsets(%dma_start3A_10 : memref<128xi32, #tpu.memory_space<vmem>>) semaphore(%arg11 : memref<!tpu.dma_semaphore, #tpu.memory_space<semaphore_mem>>)
    %dma_start3A_14 = arith.constant 1 : i32
    %dma_start3A_15 = arith.constant 1 : i32
    %dma_start3A_16 = arith.constant 0 : i32
    %dma_start3A_17 = arith.constant 0 : i32
    %dma_start3A_18 = tpu.memref_slice %arg8[%dma_start3A_15, %dma_start3A_16, %dma_start3A_17] : memref<2x128x128xf32, #tpu.memory_space<vmem>> -> memref<1x128x128xf32, #tpu.memory_space<vmem>>
    %dma_start3A_19 = tpu.memref_squeeze %dma_start3A_18 : memref<1x128x128xf32, #tpu.memory_space<vmem>> -> memref<128x128xf32, #tpu.memory_space<vmem>>
    %dma_start3A_20 = arith.constant 0 : i32
    %dma_start3A_21 = tpu.memref_slice %arg6[%dma_start3A_14, %dma_start3A_20] : memref<4x128xi32, #tpu.memory_space<vmem>> -> memref<1x128xi32, #tpu.memory_space<vmem>>
    %dma_start3A_22 = tpu.memref_squeeze %dma_start3A_21 : memref<1x128xi32, #tpu.memory_space<vmem>> -> memref<128xi32, #tpu.memory_space<vmem>>
    %dma_start3A_23 = arith.constant 0 : i32
    %dma_start3A_24 = arith.constant 0 : i32
    %dma_start3A_25 = tpu.memref_slice %arg4[%dma_start3A_23, %dma_start3A_24] : memref<7936x128xf32, #tpu.memory_space<hbm>> -> memref<7936x128xf32, #tpu.memory_space<hbm>>
    tpu.enqueue_indirect_dma source(%dma_start3A_25 : memref<7936x128xf32, #tpu.memory_space<hbm>>) target(%dma_start3A_19 : memref<128x128xf32, #tpu.memory_space<vmem>>) offsets(%dma_start3A_22 : memref<128xi32, #tpu.memory_space<vmem>>) semaphore(%arg11 : memref<!tpu.dma_semaphore, #tpu.memory_space<semaphore_mem>>)
    %dma_wait3A = arith.constant 0 : i32
    %dma_wait3A_26 = arith.constant 0 : i32
    %dma_wait3A_27 = arith.constant 0 : i32
    %dma_wait3A_28 = arith.constant 0 : i32
    %dma_wait3A_29 = tpu.memref_slice %arg8[%dma_wait3A_26, %dma_wait3A_27, %dma_wait3A_28] : memref<2x128x128xf32, #tpu.memory_space<vmem>> -> memref<1x128x128xf32, #tpu.memory_space<vmem>>
    %dma_wait3A_30 = tpu.memref_squeeze %dma_wait3A_29 : memref<1x128x128xf32, #tpu.memory_space<vmem>> -> memref<128x128xf32, #tpu.memory_space<vmem>>
    %dma_wait3A_31 = arith.constant 0 : i32
    %dma_wait3A_32 = tpu.memref_slice %arg6[%dma_wait3A, %dma_wait3A_31] : memref<4x128xi32, #tpu.memory_space<vmem>> -> memref<1x128xi32, #tpu.memory_space<vmem>>
    %dma_wait3A_33 = tpu.memref_squeeze %dma_wait3A_32 : memref<1x128xi32, #tpu.memory_space<vmem>> -> memref<128xi32, #tpu.memory_space<vmem>>
    %dma_wait3A_34 = arith.constant 0 : i32
    %dma_wait3A_35 = arith.constant 0 : i32
    %dma_wait3A_36 = tpu.memref_slice %arg4[%dma_wait3A_34, %dma_wait3A_35] : memref<7936x128xf32, #tpu.memory_space<hbm>> -> memref<7936x128xf32, #tpu.memory_space<hbm>>
    tpu.wait_indirect_dma semaphore(%arg11 : memref<!tpu.dma_semaphore, #tpu.memory_space<semaphore_mem>>) src(%dma_wait3A_36 : memref<7936x128xf32, #tpu.memory_space<hbm>>) dst(%dma_wait3A_30 : memref<128x128xf32, #tpu.memory_space<vmem>>)
    %iota3A = tpu.iota {dimensions = array<i32: 0>} : vector<16xi32>
    %add3A_37 = arith.constant 0 : i32
    %add3A_38 = vector.broadcast %add3A_37 : i32 to vector<16xi32>
    %add3A_39 = arith.addi %add3A_38, %iota3A : vector<16xi32>
    %get3A = arith.constant 0 : index
    %get3A_40 = tpu.vector_load %arg7[%get3A] {strides = array<i32>} : memref<512xi32, #tpu.memory_space<vmem>>, vector<16xi32>,
    %gather3A = arith.constant 0 : i32
    %gather3A_41 = arith.constant 0 : i32
    %gather3A_42 = arith.constant 0 : i32
    %gather3A_43 = tpu.memref_slice %arg8[%gather3A, %gather3A_41, %gather3A_42] : memref<2x128x128xf32, #tpu.memory_space<vmem>> -> memref<1x128x128xf32, #tpu.memory_space<vmem>>
    %gather3A_44 = tpu.memref_squeeze %gather3A_43 : memref<1x128x128xf32, #tpu.memory_space<vmem>> -> memref<128x128xf32, #tpu.memory_space<vmem>>
    %gather3A_45 = tpu.vector_load_idx %gather3A_44[%add3A_39, %get3A_40] : memref<128x128xf32, #tpu.memory_space<vmem>>[vector<16xi32>, vector<16xi32>], vector<16xf32>,
    %swap3A = arith.constant 0 : index
    %swap3A_46 = tpu.vector_load %arg9[%swap3A] {strides = array<i32>} : memref<512xf32, #tpu.memory_space<vmem>>, vector<16xf32>,
    tpu.vector_store %arg9[%swap3A], %gather3A_45 {strides = array<i32>} : memref<512xf32, #tpu.memory_space<vmem>>, vector<16xf32>,
    %iota3A_47 = tpu.iota {dimensions = array<i32: 0>} : vector<16xi32>
    %add3A_48 = arith.constant 16 : i32
    %add3A_49 = vector.broadcast %add3A_48 : i32 to vector<16xi32>
    %add3A_50 = arith.addi %add3A_49, %iota3A_47 : vector<16xi32>
    %get3A_51 = arith.constant 16 : index
    %get3A_52 = tpu.vector_load %arg7[%get3A_51] {strides = array<i32>} : memref<512xi32, #tpu.memory_space<vmem>>, vector<16xi32>,
    %gather3A_53 = arith.constant 0 : i32
    %gather3A_54 = arith.constant 0 : i32
    %gather3A_55 = arith.constant 0 : i32
    %gather3A_56 = tpu.memref_slice %arg8[%gather3A_53, %gather3A_54, %gather3A_55] : memref<2x128x128xf32, #tpu.memory_space<vmem>> -> memref<1x128x128xf32, #tpu.memory_space<vmem>>
    %gather3A_57 = tpu.memref_squeeze %gather3A_56 : memref<1x128x128xf32, #tpu.memory_space<vmem>> -> memref<128x128xf32, #tpu.memory_space<vmem>>
    %gather3A_58 = tpu.vector_load_idx %gather3A_57[%add3A_50, %get3A_52] : memref<128x128xf32, #tpu.memory_space<vmem>>[vector<16xi32>, vector<16xi32>], vector<16xf32>,
    %swap3A_59 = arith.constant 16 : index
    %swap3A_60 = tpu.vector_load %arg9[%swap3A_59] {strides = array<i32>} : memref<512xf32, #tpu.memory_space<vmem>>, vector<16xf32>,
    tpu.vector_store %arg9[%swap3A_59], %gather3A_58 {strides = array<i32>} : memref<512xf32, #tpu.memory_space<vmem>>, vector<16xf32>,
    %iota3A_61 = tpu.iota {dimensions = array<i32: 0>} : vector<16xi32>
    %add3A_62 = arith.constant 32 : i32
    %add3A_63 = vector.broadcast %add3A_62 : i32 to vector<16xi32>
    %add3A_64 = arith.addi %add3A_63, %iota3A_61 : vector<16xi32>
    %get3A_65 = arith.constant 32 : index
    %get3A_66 = tpu.vector_load %arg7[%get3A_65] {strides = array<i32>} : memref<512xi32, #tpu.memory_space<vmem>>, vector<16xi32>,
    %gather3A_67 = arith.constant 0 : i32
    %gather3A_68 = arith.constant 0 : i32
    %gather3A_69 = arith.constant 0 : i32
    %gather3A_70 = tpu.memref_slice %arg8[%gather3A_67, %gather3A_68, %gather3A_69] : memref<2x128x128xf32, #tpu.memory_space<vmem>> -> memref<1x128x128xf32, #tpu.memory_space<vmem>>
    %gather3A_71 = tpu.memref_squeeze %gather3A_70 : memref<1x128x128xf32, #tpu.memory_space<vmem>> -> memref<128x128xf32, #tpu.memory_space<vmem>>
    %gather3A_72 = tpu.vector_load_idx %gather3A_71[%add3A_64, %get3A_66] : memref<128x128xf32, #tpu.memory_space<vmem>>[vector<16xi32>, vector<16xi32>], vector<16xf32>,
    %swap3A_73 = arith.constant 32 : index
    %swap3A_74 = tpu.vector_load %arg9[%swap3A_73] {strides = array<i32>} : memref<512xf32, #tpu.memory_space<vmem>>, vector<16xf32>,
    tpu.vector_store %arg9[%swap3A_73], %gather3A_72 {strides = array<i32>} : memref<512xf32, #tpu.memory_space<vmem>>, vector<16xf32>,
    %iota3A_75 = tpu.iota {dimensions = array<i32: 0>} : vector<16xi32>
    %add3A_76 = arith.constant 48 : i32
    %add3A_77 = vector.broadcast %add3A_76 : i32 to vector<16xi32>
    %add3A_78 = arith.addi %add3A_77, %iota3A_75 : vector<16xi32>
    %get3A_79 = arith.constant 48 : index
    %get3A_80 = tpu.vector_load %arg7[%get3A_79] {strides = array<i32>} : memref<512xi32, #tpu.memory_space<vmem>>, vector<16xi32>,
    %gather3A_81 = arith.constant 0 : i32
    %gather3A_82 = arith.constant 0 : i32
    %gather3A_83 = arith.constant 0 : i32
    %gather3A_84 = tpu.memref_slice %arg8[%gather3A_81, %gather3A_82, %gather3A_83] : memref<2x128x128xf32, #tpu.memory_space<vmem>> -> memref<1x128x128xf32, #tpu.memory_space<vmem>>
    %gather3A_85 = tpu.memref_squeeze %gather3A_84 : memref<1x128x128xf32, #tpu.memory_space<vmem>> -> memref<128x128xf32, #tpu.memory_space<vmem>>
    %gather3A_86 = tpu.vector_load_idx %gather3A_85[%add3A_78, %get3A_80] : memref<128x128xf32, #tpu.memory_space<vmem>>[vector<16xi32>, vector<16xi32>], vector<16xf32>,
    %swap3A_87 = arith.constant 48 : index
    %swap3A_88 = tpu.vector_load %arg9[%swap3A_87] {strides = array<i32>} : memref<512xf32, #tpu.memory_space<vmem>>, vector<16xf32>,
    tpu.vector_store %arg9[%swap3A_87], %gather3A_86 {strides = array<i32>} : memref<512xf32, #tpu.memory_space<vmem>>, vector<16xf32>,
    %iota3A_89 = tpu.iota {dimensions = array<i32: 0>} : vector<16xi32>
    %add3A_90 = arith.constant 64 : i32
    %add3A_91 = vector.broadcast %add3A_90 : i32 to vector<16xi32>
    %add3A_92 = arith.addi %add3A_91, %iota3A_89 : vector<16xi32>
    %get3A_93 = arith.constant 64 : index
    %get3A_94 = tpu.vector_load %arg7[%get3A_93] {strides = array<i32>} : memref<512xi32, #tpu.memory_space<vmem>>, vector<16xi32>,
    %gather3A_95 = arith.constant 0 : i32
    %gather3A_96 = arith.constant 0 : i32
    %gather3A_97 = arith.constant 0 : i32
    %gather3A_98 = tpu.memref_slice %arg8[%gather3A_95, %gather3A_96, %gather3A_97] : memref<2x128x128xf32, #tpu.memory_space<vmem>> -> memref<1x128x128xf32, #tpu.memory_space<vmem>>
    %gather3A_99 = tpu.memref_squeeze %gather3A_98 : memref<1x128x128xf32, #tpu.memory_space<vmem>> -> memref<128x128xf32, #tpu.memory_space<vmem>>
    %gather3A_100 = tpu.vector_load_idx %gather3A_99[%add3A_92, %get3A_94] : memref<128x128xf32, #tpu.memory_space<vmem>>[vector<16xi32>, vector<16xi32>], vector<16xf32>,
    %swap3A_101 = arith.constant 64 : index
    %swap3A_102 = tpu.vector_load %arg9[%swap3A_101] {strides = array<i32>} : memref<512xf32, #tpu.memory_space<vmem>>, vector<16xf32>,
    tpu.vector_store %arg9[%swap3A_101], %gather3A_100 {strides = array<i32>} : memref<512xf32, #tpu.memory_space<vmem>>, vector<16xf32>,
    %iota3A_103 = tpu.iota {dimensions = array<i32: 0>} : vector<16xi32>
    %add3A_104 = arith.constant 80 : i32
    %add3A_105 = vector.broadcast %add3A_104 : i32 to vector<16xi32>
    %add3A_106 = arith.addi %add3A_105, %iota3A_103 : vector<16xi32>
    %get3A_107 = arith.constant 80 : index
    %get3A_108 = tpu.vector_load %arg7[%get3A_107] {strides = array<i32>} : memref<512xi32, #tpu.memory_space<vmem>>, vector<16xi32>,
    %gather3A_109 = arith.constant 0 : i32
    %gather3A_110 = arith.constant 0 : i32
    %gather3A_111 = arith.constant 0 : i32
    %gather3A_112 = tpu.memref_slice %arg8[%gather3A_109, %gather3A_110, %gather3A_111] : memref<2x128x128xf32, #tpu.memory_space<vmem>> -> memref<1x128x128xf32, #tpu.memory_space<vmem>>
    %gather3A_113 = tpu.memref_squeeze %gather3A_112 : memref<1x128x128xf32, #tpu.memory_space<vmem>> -> memref<128x128xf32, #tpu.memory_space<vmem>>
    %gather3A_114 = tpu.vector_load_idx %gather3A_113[%add3A_106, %get3A_108] : memref<128x128xf32, #tpu.memory_space<vmem>>[vector<16xi32>, vector<16xi32>], vector<16xf32>,
    %swap3A_115 = arith.constant 80 : index
    %swap3A_116 = tpu.vector_load %arg9[%swap3A_115] {strides = array<i32>} : memref<512xf32, #tpu.memory_space<vmem>>, vector<16xf32>,
    tpu.vector_store %arg9[%swap3A_115], %gather3A_114 {strides = array<i32>} : memref<512xf32, #tpu.memory_space<vmem>>, vector<16xf32>,
    %iota3A_117 = tpu.iota {dimensions = array<i32: 0>} : vector<16xi32>
    %add3A_118 = arith.constant 96 : i32
    %add3A_119 = vector.broadcast %add3A_118 : i32 to vector<16xi32>
    %add3A_120 = arith.addi %add3A_119, %iota3A_117 : vector<16xi32>
    %get3A_121 = arith.constant 96 : index
    %get3A_122 = tpu.vector_load %arg7[%get3A_121] {strides = array<i32>} : memref<512xi32, #tpu.memory_space<vmem>>, vector<16xi32>,
    %gather3A_123 = arith.constant 0 : i32
    %gather3A_124 = arith.constant 0 : i32
    %gather3A_125 = arith.constant 0 : i32
    %gather3A_126 = tpu.memref_slice %arg8[%gather3A_123, %gather3A_124, %gather3A_125] : memref<2x128x128xf32, #tpu.memory_space<vmem>> -> memref<1x128x128xf32, #tpu.memory_space<vmem>>
    %gather3A_127 = tpu.memref_squeeze %gather3A_126 : memref<1x128x128xf32, #tpu.memory_space<vmem>> -> memref<128x128xf32, #tpu.memory_space<vmem>>
    %gather3A_128 = tpu.vector_load_idx %gather3A_127[%add3A_120, %get3A_122] : memref<128x128xf32, #tpu.memory_space<vmem>>[vector<16xi32>, vector<16xi32>], vector<16xf32>,
    %swap3A_129 = arith.constant 96 : index
    %swap3A_130 = tpu.vector_load %arg9[%swap3A_129] {strides = array<i32>} : memref<512xf32, #tpu.memory_space<vmem>>, vector<16xf32>,
    tpu.vector_store %arg9[%swap3A_129], %gather3A_128 {strides = array<i32>} : memref<512xf32, #tpu.memory_space<vmem>>, vector<16xf32>,
    %iota3A_131 = tpu.iota {dimensions = array<i32: 0>} : vector<16xi32>
    %add3A_132 = arith.constant 112 : i32
    %add3A_133 = vector.broadcast %add3A_132 : i32 to vector<16xi32>
    %add3A_134 = arith.addi %add3A_133, %iota3A_131 : vector<16xi32>
    %get3A_135 = arith.constant 112 : index
    %get3A_136 = tpu.vector_load %arg7[%get3A_135] {strides = array<i32>} : memref<512xi32, #tpu.memory_space<vmem>>, vector<16xi32>,
    %gather3A_137 = arith.constant 0 : i32
    %gather3A_138 = arith.constant 0 : i32
    %gather3A_139 = arith.constant 0 : i32
    %gather3A_140 = tpu.memref_slice %arg8[%gather3A_137, %gather3A_138, %gather3A_139] : memref<2x128x128xf32, #tpu.memory_space<vmem>> -> memref<1x128x128xf32, #tpu.memory_space<vmem>>
    %gather3A_141 = tpu.memref_squeeze %gather3A_140 : memref<1x128x128xf32, #tpu.memory_space<vmem>> -> memref<128x128xf32, #tpu.memory_space<vmem>>
    %gather3A_142 = tpu.vector_load_idx %gather3A_141[%add3A_134, %get3A_136] : memref<128x128xf32, #tpu.memory_space<vmem>>[vector<16xi32>, vector<16xi32>], vector<16xf32>,
    %swap3A_143 = arith.constant 112 : index
    %swap3A_144 = tpu.vector_load %arg9[%swap3A_143] {strides = array<i32>} : memref<512xf32, #tpu.memory_space<vmem>>, vector<16xf32>,
    tpu.vector_store %arg9[%swap3A_143], %gather3A_142 {strides = array<i32>} : memref<512xf32, #tpu.memory_space<vmem>>, vector<16xf32>,
    %dma_start3A_145 = arith.constant 2 : i32
    %dma_start3A_146 = arith.constant 0 : i32
    %dma_start3A_147 = arith.constant 0 : i32
    %dma_start3A_148 = arith.constant 0 : i32
    %dma_start3A_149 = tpu.memref_slice %arg8[%dma_start3A_146, %dma_start3A_147, %dma_start3A_148] : memref<2x128x128xf32, #tpu.memory_space<vmem>> -> memref<1x128x128xf32, #tpu.memory_space<vmem>>
    %dma_start3A_150 = tpu.memref_squeeze %dma_start3A_149 : memref<1x128x128xf32, #tpu.memory_space<vmem>> -> memref<128x128xf32, #tpu.memory_space<vmem>>
    %dma_start3A_151 = arith.constant 0 : i32
    %dma_start3A_152 = tpu.memref_slice %arg6[%dma_start3A_145, %dma_start3A_151] : memref<4x128xi32, #tpu.memory_space<vmem>> -> memref<1x128xi32, #tpu.memory_space<vmem>>
    %dma_start3A_153 = tpu.memref_squeeze %dma_start3A_152 : memref<1x128xi32, #tpu.memory_space<vmem>> -> memref<128xi32, #tpu.memory_space<vmem>>
    %dma_start3A_154 = arith.constant 0 : i32
    %dma_start3A_155 = arith.constant 0 : i32
    %dma_start3A_156 = tpu.memref_slice %arg4[%dma_start3A_154, %dma_start3A_155] : memref<7936x128xf32, #tpu.memory_space<hbm>> -> memref<7936x128xf32, #tpu.memory_space<hbm>>
    tpu.enqueue_indirect_dma source(%dma_start3A_156 : memref<7936x128xf32, #tpu.memory_space<hbm>>) target(%dma_start3A_150 : memref<128x128xf32, #tpu.memory_space<vmem>>) offsets(%dma_start3A_153 : memref<128xi32, #tpu.memory_space<vmem>>) semaphore(%arg11 : memref<!tpu.dma_semaphore, #tpu.memory_space<semaphore_mem>>)
    %dma_wait3A_157 = arith.constant 1 : i32
    %dma_wait3A_158 = arith.constant 1 : i32
    %dma_wait3A_159 = arith.constant 0 : i32
    %dma_wait3A_160 = arith.constant 0 : i32
    %dma_wait3A_161 = tpu.memref_slice %arg8[%dma_wait3A_158, %dma_wait3A_159, %dma_wait3A_160] : memref<2x128x128xf32, #tpu.memory_space<vmem>> -> memref<1x128x128xf32, #tpu.memory_space<vmem>>
    %dma_wait3A_162 = tpu.memref_squeeze %dma_wait3A_161 : memref<1x128x128xf32, #tpu.memory_space<vmem>> -> memref<128x128xf32, #tpu.memory_space<vmem>>
    %dma_wait3A_163 = arith.constant 0 : i32
    %dma_wait3A_164 = tpu.memref_slice %arg6[%dma_wait3A_157, %dma_wait3A_163] : memref<4x128xi32, #tpu.memory_space<vmem>> -> memref<1x128xi32, #tpu.memory_space<vmem>>
    %dma_wait3A_165 = tpu.memref_squeeze %dma_wait3A_164 : memref<1x128xi32, #tpu.memory_space<vmem>> -> memref<128xi32, #tpu.memory_space<vmem>>
    %dma_wait3A_166 = arith.constant 0 : i32
    %dma_wait3A_167 = arith.constant 0 : i32
    %dma_wait3A_168 = tpu.memref_slice %arg4[%dma_wait3A_166, %dma_wait3A_167] : memref<7936x128xf32, #tpu.memory_space<hbm>> -> memref<7936x128xf32, #tpu.memory_space<hbm>>
    tpu.wait_indirect_dma semaphore(%arg11 : memref<!tpu.dma_semaphore, #tpu.memory_space<semaphore_mem>>) src(%dma_wait3A_168 : memref<7936x128xf32, #tpu.memory_space<hbm>>) dst(%dma_wait3A_162 : memref<128x128xf32, #tpu.memory_space<vmem>>)
    %iota3A_169 = tpu.iota {dimensions = array<i32: 0>} : vector<16xi32>
    %add3A_170 = arith.constant 0 : i32
    %add3A_171 = vector.broadcast %add3A_170 : i32 to vector<16xi32>
    %add3A_172 = arith.addi %add3A_171, %iota3A_169 : vector<16xi32>
    %get3A_173 = arith.constant 128 : index
    %get3A_174 = tpu.vector_load %arg7[%get3A_173] {strides = array<i32>} : memref<512xi32, #tpu.memory_space<vmem>>, vector<16xi32>,
    %gather3A_175 = arith.constant 1 : i32
    %gather3A_176 = arith.constant 0 : i32
    %gather3A_177 = arith.constant 0 : i32
    %gather3A_178 = tpu.memref_slice %arg8[%gather3A_175, %gather3A_176, %gather3A_177] : memref<2x128x128xf32, #tpu.memory_space<vmem>> -> memref<1x128x128xf32, #tpu.memory_space<vmem>>
    %gather3A_179 = tpu.memref_squeeze %gather3A_178 : memref<1x128x128xf32, #tpu.memory_space<vmem>> -> memref<128x128xf32, #tpu.memory_space<vmem>>
    %gather3A_180 = tpu.vector_load_idx %gather3A_179[%add3A_172, %get3A_174] : memref<128x128xf32, #tpu.memory_space<vmem>>[vector<16xi32>, vector<16xi32>], vector<16xf32>,
    %swap3A_181 = arith.constant 128 : index
    %swap3A_182 = tpu.vector_load %arg9[%swap3A_181] {strides = array<i32>} : memref<512xf32, #tpu.memory_space<vmem>>, vector<16xf32>,
    tpu.vector_store %arg9[%swap3A_181], %gather3A_180 {strides = array<i32>} : memref<512xf32, #tpu.memory_space<vmem>>, vector<16xf32>,
    %iota3A_183 = tpu.iota {dimensions = array<i32: 0>} : vector<16xi32>
    %add3A_184 = arith.constant 16 : i32
    %add3A_185 = vector.broadcast %add3A_184 : i32 to vector<16xi32>
    %add3A_186 = arith.addi %add3A_185, %iota3A_183 : vector<16xi32>
    %get3A_187 = arith.constant 144 : index
    %get3A_188 = tpu.vector_load %arg7[%get3A_187] {strides = array<i32>} : memref<512xi32, #tpu.memory_space<vmem>>, vector<16xi32>,
    %gather3A_189 = arith.constant 1 : i32
    %gather3A_190 = arith.constant 0 : i32
    %gather3A_191 = arith.constant 0 : i32
    %gather3A_192 = tpu.memref_slice %arg8[%gather3A_189, %gather3A_190, %gather3A_191] : memref<2x128x128xf32, #tpu.memory_space<vmem>> -> memref<1x128x128xf32, #tpu.memory_space<vmem>>
    %gather3A_193 = tpu.memref_squeeze %gather3A_192 : memref<1x128x128xf32, #tpu.memory_space<vmem>> -> memref<128x128xf32, #tpu.memory_space<vmem>>
    %gather3A_194 = tpu.vector_load_idx %gather3A_193[%add3A_186, %get3A_188] : memref<128x128xf32, #tpu.memory_space<vmem>>[vector<16xi32>, vector<16xi32>], vector<16xf32>,
    %swap3A_195 = arith.constant 144 : index
    %swap3A_196 = tpu.vector_load %arg9[%swap3A_195] {strides = array<i32>} : memref<512xf32, #tpu.memory_space<vmem>>, vector<16xf32>,
    tpu.vector_store %arg9[%swap3A_195], %gather3A_194 {strides = array<i32>} : memref<512xf32, #tpu.memory_space<vmem>>, vector<16xf32>,
    %iota3A_197 = tpu.iota {dimensions = array<i32: 0>} : vector<16xi32>
    %add3A_198 = arith.constant 32 : i32
    %add3A_199 = vector.broadcast %add3A_198 : i32 to vector<16xi32>
    %add3A_200 = arith.addi %add3A_199, %iota3A_197 : vector<16xi32>
    %get3A_201 = arith.constant 160 : index
    %get3A_202 = tpu.vector_load %arg7[%get3A_201] {strides = array<i32>} : memref<512xi32, #tpu.memory_space<vmem>>, vector<16xi32>,
    %gather3A_203 = arith.constant 1 : i32
    %gather3A_204 = arith.constant 0 : i32
    %gather3A_205 = arith.constant 0 : i32
    %gather3A_206 = tpu.memref_slice %arg8[%gather3A_203, %gather3A_204, %gather3A_205] : memref<2x128x128xf32, #tpu.memory_space<vmem>> -> memref<1x128x128xf32, #tpu.memory_space<vmem>>
    %gather3A_207 = tpu.memref_squeeze %gather3A_206 : memref<1x128x128xf32, #tpu.memory_space<vmem>> -> memref<128x128xf32, #tpu.memory_space<vmem>>
    %gather3A_208 = tpu.vector_load_idx %gather3A_207[%add3A_200, %get3A_202] : memref<128x128xf32, #tpu.memory_space<vmem>>[vector<16xi32>, vector<16xi32>], vector<16xf32>,
    %swap3A_209 = arith.constant 160 : index
    %swap3A_210 = tpu.vector_load %arg9[%swap3A_209] {strides = array<i32>} : memref<512xf32, #tpu.memory_space<vmem>>, vector<16xf32>,
    tpu.vector_store %arg9[%swap3A_209], %gather3A_208 {strides = array<i32>} : memref<512xf32, #tpu.memory_space<vmem>>, vector<16xf32>,
    %iota3A_211 = tpu.iota {dimensions = array<i32: 0>} : vector<16xi32>
    %add3A_212 = arith.constant 48 : i32
    %add3A_213 = vector.broadcast %add3A_212 : i32 to vector<16xi32>
    %add3A_214 = arith.addi %add3A_213, %iota3A_211 : vector<16xi32>
    %get3A_215 = arith.constant 176 : index
    %get3A_216 = tpu.vector_load %arg7[%get3A_215] {strides = array<i32>} : memref<512xi32, #tpu.memory_space<vmem>>, vector<16xi32>,
    %gather3A_217 = arith.constant 1 : i32
    %gather3A_218 = arith.constant 0 : i32
    %gather3A_219 = arith.constant 0 : i32
    %gather3A_220 = tpu.memref_slice %arg8[%gather3A_217, %gather3A_218, %gather3A_219] : memref<2x128x128xf32, #tpu.memory_space<vmem>> -> memref<1x128x128xf32, #tpu.memory_space<vmem>>
    %gather3A_221 = tpu.memref_squeeze %gather3A_220 : memref<1x128x128xf32, #tpu.memory_space<vmem>> -> memref<128x128xf32, #tpu.memory_space<vmem>>
    %gather3A_222 = tpu.vector_load_idx %gather3A_221[%add3A_214, %get3A_216] : memref<128x128xf32, #tpu.memory_space<vmem>>[vector<16xi32>, vector<16xi32>], vector<16xf32>,
    %swap3A_223 = arith.constant 176 : index
    %swap3A_224 = tpu.vector_load %arg9[%swap3A_223] {strides = array<i32>} : memref<512xf32, #tpu.memory_space<vmem>>, vector<16xf32>,
    tpu.vector_store %arg9[%swap3A_223], %gather3A_222 {strides = array<i32>} : memref<512xf32, #tpu.memory_space<vmem>>, vector<16xf32>,
    %iota3A_225 = tpu.iota {dimensions = array<i32: 0>} : vector<16xi32>
    %add3A_226 = arith.constant 64 : i32
    %add3A_227 = vector.broadcast %add3A_226 : i32 to vector<16xi32>
    %add3A_228 = arith.addi %add3A_227, %iota3A_225 : vector<16xi32>
    %get3A_229 = arith.constant 192 : index
    %get3A_230 = tpu.vector_load %arg7[%get3A_229] {strides = array<i32>} : memref<512xi32, #tpu.memory_space<vmem>>, vector<16xi32>,
    %gather3A_231 = arith.constant 1 : i32
    %gather3A_232 = arith.constant 0 : i32
    %gather3A_233 = arith.constant 0 : i32
    %gather3A_234 = tpu.memref_slice %arg8[%gather3A_231, %gather3A_232, %gather3A_233] : memref<2x128x128xf32, #tpu.memory_space<vmem>> -> memref<1x128x128xf32, #tpu.memory_space<vmem>>
    %gather3A_235 = tpu.memref_squeeze %gather3A_234 : memref<1x128x128xf32, #tpu.memory_space<vmem>> -> memref<128x128xf32, #tpu.memory_space<vmem>>
    %gather3A_236 = tpu.vector_load_idx %gather3A_235[%add3A_228, %get3A_230] : memref<128x128xf32, #tpu.memory_space<vmem>>[vector<16xi32>, vector<16xi32>], vector<16xf32>,
    %swap3A_237 = arith.constant 192 : index
    %swap3A_238 = tpu.vector_load %arg9[%swap3A_237] {strides = array<i32>} : memref<512xf32, #tpu.memory_space<vmem>>, vector<16xf32>,
    tpu.vector_store %arg9[%swap3A_237], %gather3A_236 {strides = array<i32>} : memref<512xf32, #tpu.memory_space<vmem>>, vector<16xf32>,
    %iota3A_239 = tpu.iota {dimensions = array<i32: 0>} : vector<16xi32>
    %add3A_240 = arith.constant 80 : i32
    %add3A_241 = vector.broadcast %add3A_240 : i32 to vector<16xi32>
    %add3A_242 = arith.addi %add3A_241, %iota3A_239 : vector<16xi32>
    %get3A_243 = arith.constant 208 : index
    %get3A_244 = tpu.vector_load %arg7[%get3A_243] {strides = array<i32>} : memref<512xi32, #tpu.memory_space<vmem>>, vector<16xi32>,
    %gather3A_245 = arith.constant 1 : i32
    %gather3A_246 = arith.constant 0 : i32
    %gather3A_247 = arith.constant 0 : i32
    %gather3A_248 = tpu.memref_slice %arg8[%gather3A_245, %gather3A_246, %gather3A_247] : memref<2x128x128xf32, #tpu.memory_space<vmem>> -> memref<1x128x128xf32, #tpu.memory_space<vmem>>
    %gather3A_249 = tpu.memref_squeeze %gather3A_248 : memref<1x128x128xf32, #tpu.memory_space<vmem>> -> memref<128x128xf32, #tpu.memory_space<vmem>>
    %gather3A_250 = tpu.vector_load_idx %gather3A_249[%add3A_242, %get3A_244] : memref<128x128xf32, #tpu.memory_space<vmem>>[vector<16xi32>, vector<16xi32>], vector<16xf32>,
    %swap3A_251 = arith.constant 208 : index
    %swap3A_252 = tpu.vector_load %arg9[%swap3A_251] {strides = array<i32>} : memref<512xf32, #tpu.memory_space<vmem>>, vector<16xf32>,
    tpu.vector_store %arg9[%swap3A_251], %gather3A_250 {strides = array<i32>} : memref<512xf32, #tpu.memory_space<vmem>>, vector<16xf32>,
    %iota3A_253 = tpu.iota {dimensions = array<i32: 0>} : vector<16xi32>
    %add3A_254 = arith.constant 96 : i32
    %add3A_255 = vector.broadcast %add3A_254 : i32 to vector<16xi32>
    %add3A_256 = arith.addi %add3A_255, %iota3A_253 : vector<16xi32>
    %get3A_257 = arith.constant 224 : index
    %get3A_258 = tpu.vector_load %arg7[%get3A_257] {strides = array<i32>} : memref<512xi32, #tpu.memory_space<vmem>>, vector<16xi32>,
    %gather3A_259 = arith.constant 1 : i32
    %gather3A_260 = arith.constant 0 : i32
    %gather3A_261 = arith.constant 0 : i32
    %gather3A_262 = tpu.memref_slice %arg8[%gather3A_259, %gather3A_260, %gather3A_261] : memref<2x128x128xf32, #tpu.memory_space<vmem>> -> memref<1x128x128xf32, #tpu.memory_space<vmem>>
    %gather3A_263 = tpu.memref_squeeze %gather3A_262 : memref<1x128x128xf32, #tpu.memory_space<vmem>> -> memref<128x128xf32, #tpu.memory_space<vmem>>
    %gather3A_264 = tpu.vector_load_idx %gather3A_263[%add3A_256, %get3A_258] : memref<128x128xf32, #tpu.memory_space<vmem>>[vector<16xi32>, vector<16xi32>], vector<16xf32>,
    %swap3A_265 = arith.constant 224 : index
    %swap3A_266 = tpu.vector_load %arg9[%swap3A_265] {strides = array<i32>} : memref<512xf32, #tpu.memory_space<vmem>>, vector<16xf32>,
    tpu.vector_store %arg9[%swap3A_265], %gather3A_264 {strides = array<i32>} : memref<512xf32, #tpu.memory_space<vmem>>, vector<16xf32>,
    %iota3A_267 = tpu.iota {dimensions = array<i32: 0>} : vector<16xi32>
    %add3A_268 = arith.constant 112 : i32
    %add3A_269 = vector.broadcast %add3A_268 : i32 to vector<16xi32>
    %add3A_270 = arith.addi %add3A_269, %iota3A_267 : vector<16xi32>
    %get3A_271 = arith.constant 240 : index
    %get3A_272 = tpu.vector_load %arg7[%get3A_271] {strides = array<i32>} : memref<512xi32, #tpu.memory_space<vmem>>, vector<16xi32>,
    %gather3A_273 = arith.constant 1 : i32
    %gather3A_274 = arith.constant 0 : i32
    %gather3A_275 = arith.constant 0 : i32
    %gather3A_276 = tpu.memref_slice %arg8[%gather3A_273, %gather3A_274, %gather3A_275] : memref<2x128x128xf32, #tpu.memory_space<vmem>> -> memref<1x128x128xf32, #tpu.memory_space<vmem>>
    %gather3A_277 = tpu.memref_squeeze %gather3A_276 : memref<1x128x128xf32, #tpu.memory_space<vmem>> -> memref<128x128xf32, #tpu.memory_space<vmem>>
    %gather3A_278 = tpu.vector_load_idx %gather3A_277[%add3A_270, %get3A_272] : memref<128x128xf32, #tpu.memory_space<vmem>>[vector<16xi32>, vector<16xi32>], vector<16xf32>,
    %swap3A_279 = arith.constant 240 : index
    %swap3A_280 = tpu.vector_load %arg9[%swap3A_279] {strides = array<i32>} : memref<512xf32, #tpu.memory_space<vmem>>, vector<16xf32>,
    tpu.vector_store %arg9[%swap3A_279], %gather3A_278 {strides = array<i32>} : memref<512xf32, #tpu.memory_space<vmem>>, vector<16xf32>,
    %dma_start3A_281 = arith.constant 3 : i32
    %dma_start3A_282 = arith.constant 1 : i32
    %dma_start3A_283 = arith.constant 0 : i32
    %dma_start3A_284 = arith.constant 0 : i32
    %dma_start3A_285 = tpu.memref_slice %arg8[%dma_start3A_282, %dma_start3A_283, %dma_start3A_284] : memref<2x128x128xf32, #tpu.memory_space<vmem>> -> memref<1x128x128xf32, #tpu.memory_space<vmem>>
    %dma_start3A_286 = tpu.memref_squeeze %dma_start3A_285 : memref<1x128x128xf32, #tpu.memory_space<vmem>> -> memref<128x128xf32, #tpu.memory_space<vmem>>
    %dma_start3A_287 = arith.constant 0 : i32
    %dma_start3A_288 = tpu.memref_slice %arg6[%dma_start3A_281, %dma_start3A_287] : memref<4x128xi32, #tpu.memory_space<vmem>> -> memref<1x128xi32, #tpu.memory_space<vmem>>
    %dma_start3A_289 = tpu.memref_squeeze %dma_start3A_288 : memref<1x128xi32, #tpu.memory_space<vmem>> -> memref<128xi32, #tpu.memory_space<vmem>>
    %dma_start3A_290 = arith.constant 0 : i32
    %dma_start3A_291 = arith.constant 0 : i32
    %dma_start3A_292 = tpu.memref_slice %arg4[%dma_start3A_290, %dma_start3A_291] : memref<7936x128xf32, #tpu.memory_space<hbm>> -> memref<7936x128xf32, #tpu.memory_space<hbm>>
    tpu.enqueue_indirect_dma source(%dma_start3A_292 : memref<7936x128xf32, #tpu.memory_space<hbm>>) target(%dma_start3A_286 : memref<128x128xf32, #tpu.memory_space<vmem>>) offsets(%dma_start3A_289 : memref<128xi32, #tpu.memory_space<vmem>>) semaphore(%arg11 : memref<!tpu.dma_semaphore, #tpu.memory_space<semaphore_mem>>)
    %dma_wait3A_293 = arith.constant 2 : i32
    %dma_wait3A_294 = arith.constant 0 : i32
    %dma_wait3A_295 = arith.constant 0 : i32
    %dma_wait3A_296 = arith.constant 0 : i32
    %dma_wait3A_297 = tpu.memref_slice %arg8[%dma_wait3A_294, %dma_wait3A_295, %dma_wait3A_296] : memref<2x128x128xf32, #tpu.memory_space<vmem>> -> memref<1x128x128xf32, #tpu.memory_space<vmem>>
    %dma_wait3A_298 = tpu.memref_squeeze %dma_wait3A_297 : memref<1x128x128xf32, #tpu.memory_space<vmem>> -> memref<128x128xf32, #tpu.memory_space<vmem>>
    %dma_wait3A_299 = arith.constant 0 : i32
    %dma_wait3A_300 = tpu.memref_slice %arg6[%dma_wait3A_293, %dma_wait3A_299] : memref<4x128xi32, #tpu.memory_space<vmem>> -> memref<1x128xi32, #tpu.memory_space<vmem>>
    %dma_wait3A_301 = tpu.memref_squeeze %dma_wait3A_300 : memref<1x128xi32, #tpu.memory_space<vmem>> -> memref<128xi32, #tpu.memory_space<vmem>>
    %dma_wait3A_302 = arith.constant 0 : i32
    %dma_wait3A_303 = arith.constant 0 : i32
    %dma_wait3A_304 = tpu.memref_slice %arg4[%dma_wait3A_302, %dma_wait3A_303] : memref<7936x128xf32, #tpu.memory_space<hbm>> -> memref<7936x128xf32, #tpu.memory_space<hbm>>
    tpu.wait_indirect_dma semaphore(%arg11 : memref<!tpu.dma_semaphore, #tpu.memory_space<semaphore_mem>>) src(%dma_wait3A_304 : memref<7936x128xf32, #tpu.memory_space<hbm>>) dst(%dma_wait3A_298 : memref<128x128xf32, #tpu.memory_space<vmem>>)
    %iota3A_305 = tpu.iota {dimensions = array<i32: 0>} : vector<16xi32>
    %add3A_306 = arith.constant 0 : i32
    %add3A_307 = vector.broadcast %add3A_306 : i32 to vector<16xi32>
    %add3A_308 = arith.addi %add3A_307, %iota3A_305 : vector<16xi32>
    %get3A_309 = arith.constant 256 : index
    %get3A_310 = tpu.vector_load %arg7[%get3A_309] {strides = array<i32>} : memref<512xi32, #tpu.memory_space<vmem>>, vector<16xi32>,
    %gather3A_311 = arith.constant 0 : i32
    %gather3A_312 = arith.constant 0 : i32
    %gather3A_313 = arith.constant 0 : i32
    %gather3A_314 = tpu.memref_slice %arg8[%gather3A_311, %gather3A_312, %gather3A_313] : memref<2x128x128xf32, #tpu.memory_space<vmem>> -> memref<1x128x128xf32, #tpu.memory_space<vmem>>
    %gather3A_315 = tpu.memref_squeeze %gather3A_314 : memref<1x128x128xf32, #tpu.memory_space<vmem>> -> memref<128x128xf32, #tpu.memory_space<vmem>>
    %gather3A_316 = tpu.vector_load_idx %gather3A_315[%add3A_308, %get3A_310] : memref<128x128xf32, #tpu.memory_space<vmem>>[vector<16xi32>, vector<16xi32>], vector<16xf32>,
    %swap3A_317 = arith.constant 256 : index
    %swap3A_318 = tpu.vector_load %arg9[%swap3A_317] {strides = array<i32>} : memref<512xf32, #tpu.memory_space<vmem>>, vector<16xf32>,
    tpu.vector_store %arg9[%swap3A_317], %gather3A_316 {strides = array<i32>} : memref<512xf32, #tpu.memory_space<vmem>>, vector<16xf32>,
    %iota3A_319 = tpu.iota {dimensions = array<i32: 0>} : vector<16xi32>
    %add3A_320 = arith.constant 16 : i32
    %add3A_321 = vector.broadcast %add3A_320 : i32 to vector<16xi32>
    %add3A_322 = arith.addi %add3A_321, %iota3A_319 : vector<16xi32>
    %get3A_323 = arith.constant 272 : index
    %get3A_324 = tpu.vector_load %arg7[%get3A_323] {strides = array<i32>} : memref<512xi32, #tpu.memory_space<vmem>>, vector<16xi32>,
    %gather3A_325 = arith.constant 0 : i32
    %gather3A_326 = arith.constant 0 : i32
    %gather3A_327 = arith.constant 0 : i32
    %gather3A_328 = tpu.memref_slice %arg8[%gather3A_325, %gather3A_326, %gather3A_327] : memref<2x128x128xf32, #tpu.memory_space<vmem>> -> memref<1x128x128xf32, #tpu.memory_space<vmem>>
    %gather3A_329 = tpu.memref_squeeze %gather3A_328 : memref<1x128x128xf32, #tpu.memory_space<vmem>> -> memref<128x128xf32, #tpu.memory_space<vmem>>
    %gather3A_330 = tpu.vector_load_idx %gather3A_329[%add3A_322, %get3A_324] : memref<128x128xf32, #tpu.memory_space<vmem>>[vector<16xi32>, vector<16xi32>], vector<16xf32>,
    %swap3A_331 = arith.constant 272 : index
    %swap3A_332 = tpu.vector_load %arg9[%swap3A_331] {strides = array<i32>} : memref<512xf32, #tpu.memory_space<vmem>>, vector<16xf32>,
    tpu.vector_store %arg9[%swap3A_331], %gather3A_330 {strides = array<i32>} : memref<512xf32, #tpu.memory_space<vmem>>, vector<16xf32>,
    %iota3A_333 = tpu.iota {dimensions = array<i32: 0>} : vector<16xi32>
    %add3A_334 = arith.constant 32 : i32
    %add3A_335 = vector.broadcast %add3A_334 : i32 to vector<16xi32>
    %add3A_336 = arith.addi %add3A_335, %iota3A_333 : vector<16xi32>
    %get3A_337 = arith.constant 288 : index
    %get3A_338 = tpu.vector_load %arg7[%get3A_337] {strides = array<i32>} : memref<512xi32, #tpu.memory_space<vmem>>, vector<16xi32>,
    %gather3A_339 = arith.constant 0 : i32
    %gather3A_340 = arith.constant 0 : i32
    %gather3A_341 = arith.constant 0 : i32
    %gather3A_342 = tpu.memref_slice %arg8[%gather3A_339, %gather3A_340, %gather3A_341] : memref<2x128x128xf32, #tpu.memory_space<vmem>> -> memref<1x128x128xf32, #tpu.memory_space<vmem>>
    %gather3A_343 = tpu.memref_squeeze %gather3A_342 : memref<1x128x128xf32, #tpu.memory_space<vmem>> -> memref<128x128xf32, #tpu.memory_space<vmem>>
    %gather3A_344 = tpu.vector_load_idx %gather3A_343[%add3A_336, %get3A_338] : memref<128x128xf32, #tpu.memory_space<vmem>>[vector<16xi32>, vector<16xi32>], vector<16xf32>,
    %swap3A_345 = arith.constant 288 : index
    %swap3A_346 = tpu.vector_load %arg9[%swap3A_345] {strides = array<i32>} : memref<512xf32, #tpu.memory_space<vmem>>, vector<16xf32>,
    tpu.vector_store %arg9[%swap3A_345], %gather3A_344 {strides = array<i32>} : memref<512xf32, #tpu.memory_space<vmem>>, vector<16xf32>,
    %iota3A_347 = tpu.iota {dimensions = array<i32: 0>} : vector<16xi32>
    %add3A_348 = arith.constant 48 : i32
    %add3A_349 = vector.broadcast %add3A_348 : i32 to vector<16xi32>
    %add3A_350 = arith.addi %add3A_349, %iota3A_347 : vector<16xi32>
    %get3A_351 = arith.constant 304 : index
    %get3A_352 = tpu.vector_load %arg7[%get3A_351] {strides = array<i32>} : memref<512xi32, #tpu.memory_space<vmem>>, vector<16xi32>,
    %gather3A_353 = arith.constant 0 : i32
    %gather3A_354 = arith.constant 0 : i32
    %gather3A_355 = arith.constant 0 : i32
    %gather3A_356 = tpu.memref_slice %arg8[%gather3A_353, %gather3A_354, %gather3A_355] : memref<2x128x128xf32, #tpu.memory_space<vmem>> -> memref<1x128x128xf32, #tpu.memory_space<vmem>>
    %gather3A_357 = tpu.memref_squeeze %gather3A_356 : memref<1x128x128xf32, #tpu.memory_space<vmem>> -> memref<128x128xf32, #tpu.memory_space<vmem>>
    %gather3A_358 = tpu.vector_load_idx %gather3A_357[%add3A_350, %get3A_352] : memref<128x128xf32, #tpu.memory_space<vmem>>[vector<16xi32>, vector<16xi32>], vector<16xf32>,
    %swap3A_359 = arith.constant 304 : index
    %swap3A_360 = tpu.vector_load %arg9[%swap3A_359] {strides = array<i32>} : memref<512xf32, #tpu.memory_space<vmem>>, vector<16xf32>,
    tpu.vector_store %arg9[%swap3A_359], %gather3A_358 {strides = array<i32>} : memref<512xf32, #tpu.memory_space<vmem>>, vector<16xf32>,
    %iota3A_361 = tpu.iota {dimensions = array<i32: 0>} : vector<16xi32>
    %add3A_362 = arith.constant 64 : i32
    %add3A_363 = vector.broadcast %add3A_362 : i32 to vector<16xi32>
    %add3A_364 = arith.addi %add3A_363, %iota3A_361 : vector<16xi32>
    %get3A_365 = arith.constant 320 : index
    %get3A_366 = tpu.vector_load %arg7[%get3A_365] {strides = array<i32>} : memref<512xi32, #tpu.memory_space<vmem>>, vector<16xi32>,
    %gather3A_367 = arith.constant 0 : i32
    %gather3A_368 = arith.constant 0 : i32
    %gather3A_369 = arith.constant 0 : i32
    %gather3A_370 = tpu.memref_slice %arg8[%gather3A_367, %gather3A_368, %gather3A_369] : memref<2x128x128xf32, #tpu.memory_space<vmem>> -> memref<1x128x128xf32, #tpu.memory_space<vmem>>
    %gather3A_371 = tpu.memref_squeeze %gather3A_370 : memref<1x128x128xf32, #tpu.memory_space<vmem>> -> memref<128x128xf32, #tpu.memory_space<vmem>>
    %gather3A_372 = tpu.vector_load_idx %gather3A_371[%add3A_364, %get3A_366] : memref<128x128xf32, #tpu.memory_space<vmem>>[vector<16xi32>, vector<16xi32>], vector<16xf32>,
    %swap3A_373 = arith.constant 320 : index
    %swap3A_374 = tpu.vector_load %arg9[%swap3A_373] {strides = array<i32>} : memref<512xf32, #tpu.memory_space<vmem>>, vector<16xf32>,
    tpu.vector_store %arg9[%swap3A_373], %gather3A_372 {strides = array<i32>} : memref<512xf32, #tpu.memory_space<vmem>>, vector<16xf32>,
    %iota3A_375 = tpu.iota {dimensions = array<i32: 0>} : vector<16xi32>
    %add3A_376 = arith.constant 80 : i32
    %add3A_377 = vector.broadcast %add3A_376 : i32 to vector<16xi32>
    %add3A_378 = arith.addi %add3A_377, %iota3A_375 : vector<16xi32>
    %get3A_379 = arith.constant 336 : index
    %get3A_380 = tpu.vector_load %arg7[%get3A_379] {strides = array<i32>} : memref<512xi32, #tpu.memory_space<vmem>>, vector<16xi32>,
    %gather3A_381 = arith.constant 0 : i32
    %gather3A_382 = arith.constant 0 : i32
    %gather3A_383 = arith.constant 0 : i32
    %gather3A_384 = tpu.memref_slice %arg8[%gather3A_381, %gather3A_382, %gather3A_383] : memref<2x128x128xf32, #tpu.memory_space<vmem>> -> memref<1x128x128xf32, #tpu.memory_space<vmem>>
    %gather3A_385 = tpu.memref_squeeze %gather3A_384 : memref<1x128x128xf32, #tpu.memory_space<vmem>> -> memref<128x128xf32, #tpu.memory_space<vmem>>
    %gather3A_386 = tpu.vector_load_idx %gather3A_385[%add3A_378, %get3A_380] : memref<128x128xf32, #tpu.memory_space<vmem>>[vector<16xi32>, vector<16xi32>], vector<16xf32>,
    %swap3A_387 = arith.constant 336 : index
    %swap3A_388 = tpu.vector_load %arg9[%swap3A_387] {strides = array<i32>} : memref<512xf32, #tpu.memory_space<vmem>>, vector<16xf32>,
    tpu.vector_store %arg9[%swap3A_387], %gather3A_386 {strides = array<i32>} : memref<512xf32, #tpu.memory_space<vmem>>, vector<16xf32>,
    %iota3A_389 = tpu.iota {dimensions = array<i32: 0>} : vector<16xi32>
    %add3A_390 = arith.constant 96 : i32
    %add3A_391 = vector.broadcast %add3A_390 : i32 to vector<16xi32>
    %add3A_392 = arith.addi %add3A_391, %iota3A_389 : vector<16xi32>
    %get3A_393 = arith.constant 352 : index
    %get3A_394 = tpu.vector_load %arg7[%get3A_393] {strides = array<i32>} : memref<512xi32, #tpu.memory_space<vmem>>, vector<16xi32>,
    %gather3A_395 = arith.constant 0 : i32
    %gather3A_396 = arith.constant 0 : i32
    %gather3A_397 = arith.constant 0 : i32
    %gather3A_398 = tpu.memref_slice %arg8[%gather3A_395, %gather3A_396, %gather3A_397] : memref<2x128x128xf32, #tpu.memory_space<vmem>> -> memref<1x128x128xf32, #tpu.memory_space<vmem>>
    %gather3A_399 = tpu.memref_squeeze %gather3A_398 : memref<1x128x128xf32, #tpu.memory_space<vmem>> -> memref<128x128xf32, #tpu.memory_space<vmem>>
    %gather3A_400 = tpu.vector_load_idx %gather3A_399[%add3A_392, %get3A_394] : memref<128x128xf32, #tpu.memory_space<vmem>>[vector<16xi32>, vector<16xi32>], vector<16xf32>,
    %swap3A_401 = arith.constant 352 : index
    %swap3A_402 = tpu.vector_load %arg9[%swap3A_401] {strides = array<i32>} : memref<512xf32, #tpu.memory_space<vmem>>, vector<16xf32>,
    tpu.vector_store %arg9[%swap3A_401], %gather3A_400 {strides = array<i32>} : memref<512xf32, #tpu.memory_space<vmem>>, vector<16xf32>,
    %iota3A_403 = tpu.iota {dimensions = array<i32: 0>} : vector<16xi32>
    %add3A_404 = arith.constant 112 : i32
    %add3A_405 = vector.broadcast %add3A_404 : i32 to vector<16xi32>
    %add3A_406 = arith.addi %add3A_405, %iota3A_403 : vector<16xi32>
    %get3A_407 = arith.constant 368 : index
    %get3A_408 = tpu.vector_load %arg7[%get3A_407] {strides = array<i32>} : memref<512xi32, #tpu.memory_space<vmem>>, vector<16xi32>,
    %gather3A_409 = arith.constant 0 : i32
    %gather3A_410 = arith.constant 0 : i32
    %gather3A_411 = arith.constant 0 : i32
    %gather3A_412 = tpu.memref_slice %arg8[%gather3A_409, %gather3A_410, %gather3A_411] : memref<2x128x128xf32, #tpu.memory_space<vmem>> -> memref<1x128x128xf32, #tpu.memory_space<vmem>>
    %gather3A_413 = tpu.memref_squeeze %gather3A_412 : memref<1x128x128xf32, #tpu.memory_space<vmem>> -> memref<128x128xf32, #tpu.memory_space<vmem>>
    %gather3A_414 = tpu.vector_load_idx %gather3A_413[%add3A_406, %get3A_408] : memref<128x128xf32, #tpu.memory_space<vmem>>[vector<16xi32>, vector<16xi32>], vector<16xf32>,
    %swap3A_415 = arith.constant 368 : index
    %swap3A_416 = tpu.vector_load %arg9[%swap3A_415] {strides = array<i32>} : memref<512xf32, #tpu.memory_space<vmem>>, vector<16xf32>,
    tpu.vector_store %arg9[%swap3A_415], %gather3A_414 {strides = array<i32>} : memref<512xf32, #tpu.memory_space<vmem>>, vector<16xf32>,
    %dma_wait3A_417 = arith.constant 3 : i32
    %dma_wait3A_418 = arith.constant 1 : i32
    %dma_wait3A_419 = arith.constant 0 : i32
    %dma_wait3A_420 = arith.constant 0 : i32
    %dma_wait3A_421 = tpu.memref_slice %arg8[%dma_wait3A_418, %dma_wait3A_419, %dma_wait3A_420] : memref<2x128x128xf32, #tpu.memory_space<vmem>> -> memref<1x128x128xf32, #tpu.memory_space<vmem>>
    %dma_wait3A_422 = tpu.memref_squeeze %dma_wait3A_421 : memref<1x128x128xf32, #tpu.memory_space<vmem>> -> memref<128x128xf32, #tpu.memory_space<vmem>>
    %dma_wait3A_423 = arith.constant 0 : i32
    %dma_wait3A_424 = tpu.memref_slice %arg6[%dma_wait3A_417, %dma_wait3A_423] : memref<4x128xi32, #tpu.memory_space<vmem>> -> memref<1x128xi32, #tpu.memory_space<vmem>>
    %dma_wait3A_425 = tpu.memref_squeeze %dma_wait3A_424 : memref<1x128xi32, #tpu.memory_space<vmem>> -> memref<128xi32, #tpu.memory_space<vmem>>
    %dma_wait3A_426 = arith.constant 0 : i32
    %dma_wait3A_427 = arith.constant 0 : i32
    %dma_wait3A_428 = tpu.memref_slice %arg4[%dma_wait3A_426, %dma_wait3A_427] : memref<7936x128xf32, #tpu.memory_space<hbm>> -> memref<7936x128xf32, #tpu.memory_space<hbm>>
    tpu.wait_indirect_dma semaphore(%arg11 : memref<!tpu.dma_semaphore, #tpu.memory_space<semaphore_mem>>) src(%dma_wait3A_428 : memref<7936x128xf32, #tpu.memory_space<hbm>>) dst(%dma_wait3A_422 : memref<128x128xf32, #tpu.memory_space<vmem>>)
    %iota3A_429 = tpu.iota {dimensions = array<i32: 0>} : vector<16xi32>
    %add3A_430 = arith.constant 0 : i32
    %add3A_431 = vector.broadcast %add3A_430 : i32 to vector<16xi32>
    %add3A_432 = arith.addi %add3A_431, %iota3A_429 : vector<16xi32>
    %get3A_433 = arith.constant 384 : index
    %get3A_434 = tpu.vector_load %arg7[%get3A_433] {strides = array<i32>} : memref<512xi32, #tpu.memory_space<vmem>>, vector<16xi32>,
    %gather3A_435 = arith.constant 1 : i32
    %gather3A_436 = arith.constant 0 : i32
    %gather3A_437 = arith.constant 0 : i32
    %gather3A_438 = tpu.memref_slice %arg8[%gather3A_435, %gather3A_436, %gather3A_437] : memref<2x128x128xf32, #tpu.memory_space<vmem>> -> memref<1x128x128xf32, #tpu.memory_space<vmem>>
    %gather3A_439 = tpu.memref_squeeze %gather3A_438 : memref<1x128x128xf32, #tpu.memory_space<vmem>> -> memref<128x128xf32, #tpu.memory_space<vmem>>
    %gather3A_440 = tpu.vector_load_idx %gather3A_439[%add3A_432, %get3A_434] : memref<128x128xf32, #tpu.memory_space<vmem>>[vector<16xi32>, vector<16xi32>], vector<16xf32>,
    %swap3A_441 = arith.constant 384 : index
    %swap3A_442 = tpu.vector_load %arg9[%swap3A_441] {strides = array<i32>} : memref<512xf32, #tpu.memory_space<vmem>>, vector<16xf32>,
    tpu.vector_store %arg9[%swap3A_441], %gather3A_440 {strides = array<i32>} : memref<512xf32, #tpu.memory_space<vmem>>, vector<16xf32>,
    %iota3A_443 = tpu.iota {dimensions = array<i32: 0>} : vector<16xi32>
    %add3A_444 = arith.constant 16 : i32
    %add3A_445 = vector.broadcast %add3A_444 : i32 to vector<16xi32>
    %add3A_446 = arith.addi %add3A_445, %iota3A_443 : vector<16xi32>
    %get3A_447 = arith.constant 400 : index
    %get3A_448 = tpu.vector_load %arg7[%get3A_447] {strides = array<i32>} : memref<512xi32, #tpu.memory_space<vmem>>, vector<16xi32>,
    %gather3A_449 = arith.constant 1 : i32
    %gather3A_450 = arith.constant 0 : i32
    %gather3A_451 = arith.constant 0 : i32
    %gather3A_452 = tpu.memref_slice %arg8[%gather3A_449, %gather3A_450, %gather3A_451] : memref<2x128x128xf32, #tpu.memory_space<vmem>> -> memref<1x128x128xf32, #tpu.memory_space<vmem>>
    %gather3A_453 = tpu.memref_squeeze %gather3A_452 : memref<1x128x128xf32, #tpu.memory_space<vmem>> -> memref<128x128xf32, #tpu.memory_space<vmem>>
    %gather3A_454 = tpu.vector_load_idx %gather3A_453[%add3A_446, %get3A_448] : memref<128x128xf32, #tpu.memory_space<vmem>>[vector<16xi32>, vector<16xi32>], vector<16xf32>,
    %swap3A_455 = arith.constant 400 : index
    %swap3A_456 = tpu.vector_load %arg9[%swap3A_455] {strides = array<i32>} : memref<512xf32, #tpu.memory_space<vmem>>, vector<16xf32>,
    tpu.vector_store %arg9[%swap3A_455], %gather3A_454 {strides = array<i32>} : memref<512xf32, #tpu.memory_space<vmem>>, vector<16xf32>,
    %iota3A_457 = tpu.iota {dimensions = array<i32: 0>} : vector<16xi32>
    %add3A_458 = arith.constant 32 : i32
    %add3A_459 = vector.broadcast %add3A_458 : i32 to vector<16xi32>
    %add3A_460 = arith.addi %add3A_459, %iota3A_457 : vector<16xi32>
    %get3A_461 = arith.constant 416 : index
    %get3A_462 = tpu.vector_load %arg7[%get3A_461] {strides = array<i32>} : memref<512xi32, #tpu.memory_space<vmem>>, vector<16xi32>,
    %gather3A_463 = arith.constant 1 : i32
    %gather3A_464 = arith.constant 0 : i32
    %gather3A_465 = arith.constant 0 : i32
    %gather3A_466 = tpu.memref_slice %arg8[%gather3A_463, %gather3A_464, %gather3A_465] : memref<2x128x128xf32, #tpu.memory_space<vmem>> -> memref<1x128x128xf32, #tpu.memory_space<vmem>>
    %gather3A_467 = tpu.memref_squeeze %gather3A_466 : memref<1x128x128xf32, #tpu.memory_space<vmem>> -> memref<128x128xf32, #tpu.memory_space<vmem>>
    %gather3A_468 = tpu.vector_load_idx %gather3A_467[%add3A_460, %get3A_462] : memref<128x128xf32, #tpu.memory_space<vmem>>[vector<16xi32>, vector<16xi32>], vector<16xf32>,
    %swap3A_469 = arith.constant 416 : index
    %swap3A_470 = tpu.vector_load %arg9[%swap3A_469] {strides = array<i32>} : memref<512xf32, #tpu.memory_space<vmem>>, vector<16xf32>,
    tpu.vector_store %arg9[%swap3A_469], %gather3A_468 {strides = array<i32>} : memref<512xf32, #tpu.memory_space<vmem>>, vector<16xf32>,
    %iota3A_471 = tpu.iota {dimensions = array<i32: 0>} : vector<16xi32>
    %add3A_472 = arith.constant 48 : i32
    %add3A_473 = vector.broadcast %add3A_472 : i32 to vector<16xi32>
    %add3A_474 = arith.addi %add3A_473, %iota3A_471 : vector<16xi32>
    %get3A_475 = arith.constant 432 : index
    %get3A_476 = tpu.vector_load %arg7[%get3A_475] {strides = array<i32>} : memref<512xi32, #tpu.memory_space<vmem>>, vector<16xi32>,
    %gather3A_477 = arith.constant 1 : i32
    %gather3A_478 = arith.constant 0 : i32
    %gather3A_479 = arith.constant 0 : i32
    %gather3A_480 = tpu.memref_slice %arg8[%gather3A_477, %gather3A_478, %gather3A_479] : memref<2x128x128xf32, #tpu.memory_space<vmem>> -> memref<1x128x128xf32, #tpu.memory_space<vmem>>
    %gather3A_481 = tpu.memref_squeeze %gather3A_480 : memref<1x128x128xf32, #tpu.memory_space<vmem>> -> memref<128x128xf32, #tpu.memory_space<vmem>>
    %gather3A_482 = tpu.vector_load_idx %gather3A_481[%add3A_474, %get3A_476] : memref<128x128xf32, #tpu.memory_space<vmem>>[vector<16xi32>, vector<16xi32>], vector<16xf32>,
    %swap3A_483 = arith.constant 432 : index
    %swap3A_484 = tpu.vector_load %arg9[%swap3A_483] {strides = array<i32>} : memref<512xf32, #tpu.memory_space<vmem>>, vector<16xf32>,
    tpu.vector_store %arg9[%swap3A_483], %gather3A_482 {strides = array<i32>} : memref<512xf32, #tpu.memory_space<vmem>>, vector<16xf32>,
    %iota3A_485 = tpu.iota {dimensions = array<i32: 0>} : vector<16xi32>
    %add3A_486 = arith.constant 64 : i32
    %add3A_487 = vector.broadcast %add3A_486 : i32 to vector<16xi32>
    %add3A_488 = arith.addi %add3A_487, %iota3A_485 : vector<16xi32>
    %get3A_489 = arith.constant 448 : index
    %get3A_490 = tpu.vector_load %arg7[%get3A_489] {strides = array<i32>} : memref<512xi32, #tpu.memory_space<vmem>>, vector<16xi32>,
    %gather3A_491 = arith.constant 1 : i32
    %gather3A_492 = arith.constant 0 : i32
    %gather3A_493 = arith.constant 0 : i32
    %gather3A_494 = tpu.memref_slice %arg8[%gather3A_491, %gather3A_492, %gather3A_493] : memref<2x128x128xf32, #tpu.memory_space<vmem>> -> memref<1x128x128xf32, #tpu.memory_space<vmem>>
    %gather3A_495 = tpu.memref_squeeze %gather3A_494 : memref<1x128x128xf32, #tpu.memory_space<vmem>> -> memref<128x128xf32, #tpu.memory_space<vmem>>
    %gather3A_496 = tpu.vector_load_idx %gather3A_495[%add3A_488, %get3A_490] : memref<128x128xf32, #tpu.memory_space<vmem>>[vector<16xi32>, vector<16xi32>], vector<16xf32>,
    %swap3A_497 = arith.constant 448 : index
    %swap3A_498 = tpu.vector_load %arg9[%swap3A_497] {strides = array<i32>} : memref<512xf32, #tpu.memory_space<vmem>>, vector<16xf32>,
    tpu.vector_store %arg9[%swap3A_497], %gather3A_496 {strides = array<i32>} : memref<512xf32, #tpu.memory_space<vmem>>, vector<16xf32>,
    %iota3A_499 = tpu.iota {dimensions = array<i32: 0>} : vector<16xi32>
    %add3A_500 = arith.constant 80 : i32
    %add3A_501 = vector.broadcast %add3A_500 : i32 to vector<16xi32>
    %add3A_502 = arith.addi %add3A_501, %iota3A_499 : vector<16xi32>
    %get3A_503 = arith.constant 464 : index
    %get3A_504 = tpu.vector_load %arg7[%get3A_503] {strides = array<i32>} : memref<512xi32, #tpu.memory_space<vmem>>, vector<16xi32>,
    %gather3A_505 = arith.constant 1 : i32
    %gather3A_506 = arith.constant 0 : i32
    %gather3A_507 = arith.constant 0 : i32
    %gather3A_508 = tpu.memref_slice %arg8[%gather3A_505, %gather3A_506, %gather3A_507] : memref<2x128x128xf32, #tpu.memory_space<vmem>> -> memref<1x128x128xf32, #tpu.memory_space<vmem>>
    %gather3A_509 = tpu.memref_squeeze %gather3A_508 : memref<1x128x128xf32, #tpu.memory_space<vmem>> -> memref<128x128xf32, #tpu.memory_space<vmem>>
    %gather3A_510 = tpu.vector_load_idx %gather3A_509[%add3A_502, %get3A_504] : memref<128x128xf32, #tpu.memory_space<vmem>>[vector<16xi32>, vector<16xi32>], vector<16xf32>,
    %swap3A_511 = arith.constant 464 : index
    %swap3A_512 = tpu.vector_load %arg9[%swap3A_511] {strides = array<i32>} : memref<512xf32, #tpu.memory_space<vmem>>, vector<16xf32>,
    tpu.vector_store %arg9[%swap3A_511], %gather3A_510 {strides = array<i32>} : memref<512xf32, #tpu.memory_space<vmem>>, vector<16xf32>,
    %iota3A_513 = tpu.iota {dimensions = array<i32: 0>} : vector<16xi32>
    %add3A_514 = arith.constant 96 : i32
    %add3A_515 = vector.broadcast %add3A_514 : i32 to vector<16xi32>
    %add3A_516 = arith.addi %add3A_515, %iota3A_513 : vector<16xi32>
    %get3A_517 = arith.constant 480 : index
    %get3A_518 = tpu.vector_load %arg7[%get3A_517] {strides = array<i32>} : memref<512xi32, #tpu.memory_space<vmem>>, vector<16xi32>,
    %gather3A_519 = arith.constant 1 : i32
    %gather3A_520 = arith.constant 0 : i32
    %gather3A_521 = arith.constant 0 : i32
    %gather3A_522 = tpu.memref_slice %arg8[%gather3A_519, %gather3A_520, %gather3A_521] : memref<2x128x128xf32, #tpu.memory_space<vmem>> -> memref<1x128x128xf32, #tpu.memory_space<vmem>>
    %gather3A_523 = tpu.memref_squeeze %gather3A_522 : memref<1x128x128xf32, #tpu.memory_space<vmem>> -> memref<128x128xf32, #tpu.memory_space<vmem>>
    %gather3A_524 = tpu.vector_load_idx %gather3A_523[%add3A_516, %get3A_518] : memref<128x128xf32, #tpu.memory_space<vmem>>[vector<16xi32>, vector<16xi32>], vector<16xf32>,
    %swap3A_525 = arith.constant 480 : index
    %swap3A_526 = tpu.vector_load %arg9[%swap3A_525] {strides = array<i32>} : memref<512xf32, #tpu.memory_space<vmem>>, vector<16xf32>,
    tpu.vector_store %arg9[%swap3A_525], %gather3A_524 {strides = array<i32>} : memref<512xf32, #tpu.memory_space<vmem>>, vector<16xf32>,
    %iota3A_527 = tpu.iota {dimensions = array<i32: 0>} : vector<16xi32>
    %add3A_528 = arith.constant 112 : i32
    %add3A_529 = vector.broadcast %add3A_528 : i32 to vector<16xi32>
    %add3A_530 = arith.addi %add3A_529, %iota3A_527 : vector<16xi32>
    %get3A_531 = arith.constant 496 : index
    %get3A_532 = tpu.vector_load %arg7[%get3A_531] {strides = array<i32>} : memref<512xi32, #tpu.memory_space<vmem>>, vector<16xi32>,
    %gather3A_533 = arith.constant 1 : i32
    %gather3A_534 = arith.constant 0 : i32
    %gather3A_535 = arith.constant 0 : i32
    %gather3A_536 = tpu.memref_slice %arg8[%gather3A_533, %gather3A_534, %gather3A_535] : memref<2x128x128xf32, #tpu.memory_space<vmem>> -> memref<1x128x128xf32, #tpu.memory_space<vmem>>
    %gather3A_537 = tpu.memref_squeeze %gather3A_536 : memref<1x128x128xf32, #tpu.memory_space<vmem>> -> memref<128x128xf32, #tpu.memory_space<vmem>>
    %gather3A_538 = tpu.vector_load_idx %gather3A_537[%add3A_530, %get3A_532] : memref<128x128xf32, #tpu.memory_space<vmem>>[vector<16xi32>, vector<16xi32>], vector<16xf32>,
    %swap3A_539 = arith.constant 496 : index
    %swap3A_540 = tpu.vector_load %arg9[%swap3A_539] {strides = array<i32>} : memref<512xf32, #tpu.memory_space<vmem>>, vector<16xf32>,
    tpu.vector_store %arg9[%swap3A_539], %gather3A_538 {strides = array<i32>} : memref<512xf32, #tpu.memory_space<vmem>>, vector<16xf32>,
    "tpu.region"() ({
      %run_scoped3A = tpu.sem_alloc : memref<!tpu.dma_semaphore, #tpu.memory_space<semaphore_mem>>
      %dma_start3A_541 = tpu.memref_slice %arg5[%mul3A_2] : memref<16384xf32, #tpu.memory_space<hbm>> -> memref<512xf32, #tpu.memory_space<hbm>>
      %dma_start3A_542 = tpu.memref_slice %arg5[%mul3A_2] : memref<16384xf32, #tpu.memory_space<hbm>> -> memref<512xf32, #tpu.memory_space<hbm>>
      tpu.enqueue_dma source(%arg9 : memref<512xf32, #tpu.memory_space<vmem>>) target(%dma_start3A_542 : memref<512xf32, #tpu.memory_space<hbm>>) target_semaphore(%run_scoped3A : memref<!tpu.dma_semaphore, #tpu.memory_space<semaphore_mem>>)
      %dma_wait3A_543 = tpu.memref_slice %arg5[%mul3A_2] : memref<16384xf32, #tpu.memory_space<hbm>> -> memref<512xf32, #tpu.memory_space<hbm>>
      %dma_wait3A_544 = tpu.memref_slice %arg5[%mul3A_2] : memref<16384xf32, #tpu.memory_space<hbm>> -> memref<512xf32, #tpu.memory_space<hbm>>
      tpu.wait_dma2 semaphore(%run_scoped3A : memref<!tpu.dma_semaphore, #tpu.memory_space<semaphore_mem>>) src(%arg9 : memref<512xf32, #tpu.memory_space<vmem>>) dst(%dma_wait3A_544 : memref<512xf32, #tpu.memory_space<hbm>>)
      tpu.yield
    }) : () -> ()
    return
  }
}

module attributes {stable_mosaic.version = 14 : i64} {
  func.func @_collapse_body(%arg0: memref<128x256xf32, #tpu.memory_space<vmem>>, %arg1: memref<1x256xf32, #tpu.memory_space<vmem>>, %arg2: memref<256x1xf32, #tpu.memory_space<vmem>>, %arg3: memref<1x1xf32, #tpu.memory_space<vmem>>, %arg4: memref<1x128xf32, #tpu.memory_space<vmem>>, %arg5: memref<1x1xf32, #tpu.memory_space<vmem>>) attributes {dimension_semantics = [], scalar_prefetch = 0 : i64, scratch_operands = 0 : i64, tpu.core_type = #tpu.core_type<tc>} {
    %get3A = arith.constant 0 : index
    %get3A_0 = arith.constant 0 : index
    %get3A_1 = vector.load %arg0[%get3A, %get3A_0] : memref<128x256xf32, #tpu.memory_space<vmem>>, vector<128x256xf32>
    %get3A_2 = arith.constant 0 : index
    %get3A_3 = arith.constant 0 : index
    %get3A_4 = vector.load %arg2[%get3A_2, %get3A_3] : memref<256x1xf32, #tpu.memory_space<vmem>>, vector<256x1xf32>
    %dot_general3A = arith.constant dense<0.000000e+00> : vector<128x1xf32>
    %dot_general3A_5 = tpu.matmul %get3A_1, %get3A_4, %dot_general3A {dimension_numbers = #tpu.dot_dimension_numbers<[1], [0], [0], [1], [0, 0, 1, 1], [], []>, transpose_lhs_hint = false} : vector<128x256xf32>, vector<256x1xf32>, vector<128x1xf32> -> vector<128x1xf32>
    %reshape3A = vector.shape_cast %dot_general3A_5 : vector<128x1xf32> to vector<1x128xf32>
    %swap3A = arith.constant 0 : index
    %swap3A_6 = arith.constant 0 : index
    %swap3A_7 = vector.load %arg4[%swap3A, %swap3A_6] : memref<1x128xf32, #tpu.memory_space<vmem>>, vector<1x128xf32>
    tpu.vector_store %arg4[%swap3A, %swap3A_6], %reshape3A {strides = array<i32>} : memref<1x128xf32, #tpu.memory_space<vmem>>, vector<1x128xf32>,
    %get3A_8 = arith.constant 0 : index
    %get3A_9 = arith.constant 0 : index
    %get3A_10 = vector.load %arg1[%get3A_8, %get3A_9] : memref<1x256xf32, #tpu.memory_space<vmem>>, vector<1x256xf32>
    %get3A_11 = arith.constant 0 : index
    %get3A_12 = arith.constant 0 : index
    %get3A_13 = vector.load %arg2[%get3A_11, %get3A_12] : memref<256x1xf32, #tpu.memory_space<vmem>>, vector<256x1xf32>
    %dot_general3A_14 = arith.constant dense<0.000000e+00> : vector<1x1xf32>
    %dot_general3A_15 = tpu.matmul %get3A_10, %get3A_13, %dot_general3A_14 {dimension_numbers = #tpu.dot_dimension_numbers<[1], [0], [0], [1], [0, 0, 1, 1], [], []>, transpose_lhs_hint = false} : vector<1x256xf32>, vector<256x1xf32>, vector<1x1xf32> -> vector<1x1xf32>
    %get3A_16 = arith.constant 0 : index
    %get3A_17 = arith.constant 0 : index
    %get3A_18 = vector.load %arg3[%get3A_16, %get3A_17] : memref<1x1xf32, #tpu.memory_space<vmem>>, vector<1x1xf32>
    %add3A = arith.addf %dot_general3A_15, %get3A_18 : vector<1x1xf32>
    %swap3A_19 = arith.constant 0 : index
    %swap3A_20 = arith.constant 0 : index
    %swap3A_21 = vector.load %arg5[%swap3A_19, %swap3A_20] : memref<1x1xf32, #tpu.memory_space<vmem>>, vector<1x1xf32>
    tpu.vector_store %arg5[%swap3A_19, %swap3A_20], %add3A {strides = array<i32>} : memref<1x1xf32, #tpu.memory_space<vmem>>, vector<1x1xf32>,
    return
  }
}

module attributes {stable_mosaic.version = 14 : i64} {
  func.func @_matvec_body(%arg0: i32, %arg1: memref<1x64xf32, #tpu.memory_space<vmem>>, %arg2: memref<64x32768xf32, #tpu.memory_space<vmem>>, %arg3: memref<256x128xf32, #tpu.memory_space<vmem>>) attributes {dimension_semantics = [#tpu.dimension_semantics<arbitrary>], iteration_bounds = array<i64: 31>, scalar_prefetch = 0 : i64, scratch_operands = 0 : i64, tpu.core_type = #tpu.core_type<tc>, window_params = [{pipeline_mode = #tpu.pipeline_mode<synchronous>, transform_indices = @transform_0, window_bounds = array<i64: 1, 64>}, {transform_indices = @transform_1, window_bounds = array<i64: 64, 32768>}, {transform_indices = @transform_2, window_bounds = array<i64: 256, 128>}]} {
    %get3A = arith.constant 0 : index
    %get3A_0 = arith.constant 0 : index
    %get3A_1 = vector.load %arg1[%get3A, %get3A_0] : memref<1x64xf32, #tpu.memory_space<vmem>>, vector<1x64xf32>
    %get3A_2 = arith.constant 0 : index
    %get3A_3 = arith.constant 0 : index
    %get3A_4 = vector.load %arg2[%get3A_2, %get3A_3] : memref<64x32768xf32, #tpu.memory_space<vmem>>, vector<64x32768xf32>
    %dot_general3A = arith.constant dense<0.000000e+00> : vector<1x32768xf32>
    %dot_general3A_5 = tpu.matmul %get3A_1, %get3A_4, %dot_general3A {dimension_numbers = #tpu.dot_dimension_numbers<[1], [0], [0], [1], [0, 0, 1, 1], [], []>, transpose_lhs_hint = false} : vector<1x64xf32>, vector<64x32768xf32>, vector<1x32768xf32> -> vector<1x32768xf32>
    %reshape3A = vector.shape_cast %dot_general3A_5 : vector<1x32768xf32> to vector<256x128xf32>
    %swap3A = arith.constant 0 : index
    %swap3A_6 = arith.constant 0 : index
    %swap3A_7 = vector.load %arg3[%swap3A, %swap3A_6] : memref<256x128xf32, #tpu.memory_space<vmem>>, vector<256x128xf32>
    tpu.vector_store %arg3[%swap3A, %swap3A_6], %reshape3A {strides = array<i32>} : memref<256x128xf32, #tpu.memory_space<vmem>>, vector<256x128xf32>,
    return
  }
  func.func @transform_0(%arg0: i32) -> (i32, i32) {
    %c0_i32 = arith.constant 0 : i32
    %c0_i32_0 = arith.constant 0 : i32
    %c0_i32_1 = arith.constant 0 : i32
    return %c0_i32, %c0_i32_0 : i32, i32
  }
  func.func @transform_1(%arg0: i32) -> (i32, i32) {
    %c0_i32 = arith.constant 0 : i32
    %c0_i32_0 = arith.constant 0 : i32
    return %c0_i32, %arg0 : i32, i32
  }
  func.func @transform_2(%arg0: i32) -> (i32, i32) {
    %c0_i32 = arith.constant 0 : i32
    %c0_i32_0 = arith.constant 0 : i32
    return %arg0, %c0_i32 : i32, i32
  }
}

</mosaic_0001>

<sc_bundles>
// kernel: kernel.10.cloned.1.call-start
scs
__scs_entry_jumppad:
0x0: {  	(pc) =	sbr.rel $0x88, $3  }
0x1: {  	(tag) =	ssettag $0x0;
	lr =	simm.s32 $0x1  }
0x2: {  	[smem:$0x3F99] =	sst lr;
	_ =	strace $0xD0000000  }
0x3: {  	_ = 	snop  }
0x4: {  	_ = 	snop  }
0x5: {  	_ = 	snop  }
0x6: {  	_ = 	snop  }
0x7: {  	_ = 	snop  }
__scs_overlays_trampoline_lowered:
0x8: {  	[smem:$0x3FA8] =	sst s0  }
0x9: {  	[smem:$0x3FA9] =	sst s1  }
0xa: {  	[smem:$0x3FAA] =	sst s2  }
0xb: {  	[smem:$0x3FAB] =	sst s3  }
0xc: {  	[smem:$0x3FAC] =	sst s4  }
0xd: {  	[smem:$0x3FAD] =	sst s5  }
0xe: {  	[smem:$0x3FAE] =	sst s6  }
0xf: {  	[smem:$0x3FAF] =	sst s7  }
0x10: {  	[smem:$0x3FB0] =	sst s8  }
0x11: {  	[smem:$0x3FB1] =	sst s9;
	s0 =	simm.s32 @!p0 $0x0  }
0x12: {  	s1 =	sld [smem:$0x3F97];
	s0 =	simm.s32 @p0 $0x1  }
0x13: {  	[smem:$0x3FB2] =	sst s0;
	s0 =	simm.s32 @!p1 $0x0  }
0x14: {  	s2 =	sld [smem:$0x3F96];
	s0 =	simm.s32 @p1 $0x1  }
0x15: {  	[smem:$0x3FB3] =	sst s0;
	s0 =	simm.s32 @!p2 $0x0  }
0x16: {  	s3 =	sld [smem:$0x3FDB];
	s0 =	simm.s32 @p2 $0x1  }
0x17: {  	s4 =	simm.s32 $0x1BF5;
	[smem:$0x3FB5] =	sst s0  }
0x18: {  	s0 =	sld [smem:$0x3F98];
	_ =	swait.ge [sflag:s4], $0x0  }
0x19: {  	s7 =	sld [smem:$0x3F99]  }
0x1a: {  	s8 =	sadd.s32 $0xFFFFE003, lr  }
0x1b: {  	s9 =	sadd.s32 $0xFFFFFEF7, lr;
	s5 =	simm.s32 $0xFFFFFFFF;
	p2 =	slt.u32 s8, $0xFFFFF086  }
0x1c: {  	p1 =	slt.u32 s9, $0xF7A;
	s5 =	simm.s32 @!p2 $0x0  }
0x1d: {  	s5 =	simm.s32 @p1 $0x1;
	p0 =	seq.s32 s7, s2  }
0x1e: {  	s7 =	smul.u32 @!p0 $0xF7A, s2;
	p2 =	seq.s32 @!p0 s5, $0x0  }
0x1f: {  	s9 =	smul.u32 $0xF7A, s1;
	s8 =	simm.s32 @!p0 $0x1BF5;
	p2 =	por !p2, p0  }
0x20: {  	[sflag:s8] =	ssyncset.s32 @!p0 $0xFFFFF086;
	s6 =	sadd.s32 @!p0 s3, s7;
	s7 =	simm.s32 @!p0 $0x108  }
0x21: {  	s3 =	sadd.s32 s3, s9;
	s6 =	sadd.s32 @!p0 $0x88, s6;
	s7 =	simm.s32 @p2 $0x1082  }
0x22: {  	[simem:s7], [sflag:s8] =	dma.local @!p0 [hbm:s6], $0xF7A  }
0x23: {  	s9 =	sor.u32 $0xD0000000, s2;
	s6 =	simm.s32 $0x108;
	_ =	swait.ge @!p0 [sflag:s8], $0x0  }
0x24: {  	s3 =	sadd.s32 $0x88, s3;
	s6 =	simm.s32 @!p1 $0x1082;
	[sflag:s4] =	ssyncset.s32 $0xFFFFF086  }
0x25: {  	[simem:s6], [sflag:s4] =	dma.local [hbm:s3], $0xF7A  }
0x26: {  	[smem:$0x3F99] =	sst s1;
	(tag) =	ssettag s2;
	_ =	strace s9  }
0x27: {  	s1 =	sld [smem:$0x3FA9]  }
0x28: {  	s2 =	sld [smem:$0x3FAA]  }
0x29: {  	s4 =	sld [smem:$0x3FAC]  }
0x2a: {  	p0 =	seq.s32 s5, $0x0;
	s5 =	sld [smem:$0x3FAD]  }
0x2b: {  	s6 =	sld [smem:$0x3FAE]  }
0x2c: {  	s7 =	sld [smem:$0x3FAF]  }
0x2d: {  	s3 =	simm.s32 $0x108;
	s8 =	sld [smem:$0x3FB0]  }
0x2e: {  	s3 =	simm.s32 @!p0 $0x1082;
	s9 =	sld [smem:$0x3FB1]  }
0x2f: {  	lr =	sadd.s32 s0, s3;
	s0 =	sld [smem:$0x3FA8]  }
0x30: {  	s3 =	sld [smem:$0x3FAB]  }
0x31: {  	[smem:$0x3FB4] =	sst s10  }
0x32: {  	s10 =	sld [smem:$0x3FB2];
	_ =	sdelay $0x3  }
0x33: {  	p0 =	seq.s32 s10, $0x1;
	s10 =	sld [smem:$0x3FB4];
	_ =	sdelay $0x3  }
0x34: {  	[smem:$0x3FB4] =	sst s10  }
0x35: {  	s10 =	sld [smem:$0x3FB3];
	_ =	sdelay $0x3  }
0x36: {  	p1 =	seq.s32 s10, $0x1;
	s10 =	sld [smem:$0x3FB4];
	_ =	sdelay $0x3  }
0x37: {  	[smem:$0x3FB4] =	sst s10  }
0x38: {  	s10 =	sld [smem:$0x3FB5]  }
0x39: {  	_ = 	snop;
	(pc) =	sbr.ind lr, $3  }
0x3a: {  	_ = 	snop  }
0x3b: {  	_ = 	snop  }
0x3c: {  	p2 =	seq.s32 s10, $0x1;
	s10 =	sld [smem:$0x3FB4]  }
0x3d: {  	_ =	shalt  }
0x3e: {  	_ =	shalt  }
0x3f: {  	_ =	shalt  }
0x40: {  	_ =	shalt  }
0x41: {  	_ =	shalt  }
0x42: {  	_ =	shalt  }
0x43: {  	_ =	shalt  }
0x44: {  	_ =	shalt  }
0x45: {  	_ =	shalt  }
0x46: {  	_ =	shalt  }
0x47: {  	_ =	shalt  }
0x48: {  	_ =	shalt  }
0x49: {  	_ =	shalt  }
0x4a: {  	_ =	shalt  }
0x4b: {  	_ =	shalt  }
0x4c: {  	_ =	shalt  }
0x4d: {  	_ =	shalt  }
0x4e: {  	_ =	shalt  }
0x4f: {  	_ =	shalt  }
0x50: {  	_ =	shalt  }
0x51: {  	_ =	shalt  }
0x52: {  	_ =	shalt  }
0x53: {  	_ =	shalt  }
0x54: {  	_ =	shalt  }
0x55: {  	_ =	shalt  }
0x56: {  	_ =	shalt  }
0x57: {  	_ =	shalt  }
0x58: {  	_ =	shalt  }
0x59: {  	_ =	shalt  }
0x5a: {  	_ =	shalt  }
0x5b: {  	_ =	shalt  }
0x5c: {  	_ =	shalt  }
0x5d: {  	_ =	shalt  }
0x5e: {  	_ =	shalt  }
0x5f: {  	_ =	shalt  }
0x60: {  	_ =	shalt  }
0x61: {  	_ =	shalt  }
0x62: {  	_ =	shalt  }
0x63: {  	_ =	shalt  }
0x64: {  	_ =	shalt  }
0x65: {  	_ =	shalt  }
0x66: {  	_ =	shalt  }
0x67: {  	_ =	shalt  }
0x68: {  	_ =	shalt  }
0x69: {  	_ =	shalt  }
0x6a: {  	_ =	shalt  }
0x6b: {  	_ =	shalt  }
0x6c: {  	_ =	shalt  }
0x6d: {  	_ =	shalt  }
0x6e: {  	_ =	shalt  }
0x6f: {  	_ =	shalt  }
0x70: {  	_ =	shalt  }
0x71: {  	_ =	shalt  }
0x72: {  	_ =	shalt  }
0x73: {  	_ =	shalt  }
0x74: {  	_ =	shalt  }
0x75: {  	_ =	shalt  }
0x76: {  	_ =	shalt  }
0x77: {  	_ =	shalt  }
0x78: {  	_ =	shalt  }
0x79: {  	_ =	shalt  }
0x7a: {  	_ =	shalt  }
0x7b: {  	_ =	shalt  }
0x7c: {  	_ =	shalt  }
0x7d: {  	_ =	shalt  }
0x7e: {  	_ =	shalt  }
0x7f: {  	_ =	shalt  }
0x80: {  	_ =	shalt  }
0x81: {  	_ =	shalt  }
0x82: {  	_ =	shalt  }
0x83: {  	_ =	shalt  }
0x84: {  	_ =	shalt  }
0x85: {  	_ =	shalt  }
0x86: {  	_ =	shalt  }
0x87: {  	_ =	shalt  }
.Lfunc_end0:
.L_simem_size_0:
called_computation.1_lowered:
.L_overlay_start_0:
0x88: {  	s2 =	sld [smem:$0x3FD9]  }
0x89: {  	s3 =	sld [smem:$0x3FFE];
	_ =	sdelay $0x1  }
0x8a: {  	s1 =	srdreg.scid  }
0x8b: {  	s0 =	sand.u32 $0x1, s1  }
0x8c: {  	s16 =	sshll.u32 s0, $0xA;
	s2 =	sadd.s32 s3, s2  }
0x8d: {  	s2 =	sadd.s32 s2, s16  }
0x8e: {  	[smem:$0x3FC0] =	sst s2  }
0x8f: {  	_ = 	snop  }
0x90: {  	(tm) =	ssettm $0x1  }
0x91: {  	s17 =	sld [smem:$0x3FFB];
	_ =	sdelay $0x3  }
0x92: {  	_ =	strace s17  }
0x93: {  	s2 =	sld [smem:$0x3FFC];
	_ =	sdelay $0x3  }
0x94: {  	_ =	strace s2  }
0x95: {  	s2 =	sld [smem:$0x3FFD];
	_ =	sdelay $0x3  }
0x96: {  	_ =	strace s2  }
0x97: {  	_ =	strace $0x8FFFFFFF  }
0x98: {  	s18 =	sld [smem:$0x3FDB];
	_ =	sdelay $0x1  }
0x99: {  	s19 =	simm.s32 $_scs_section_size  }
0x9a: {  	s4 =	simm.s32 $_size__tile_overlayer_lowered;
	s5 =	simm.s32 $_tile_overlayer_lowered  }
0x9b: {  	s22 =	simm.s32 $0x1BFF;
	s21 =	sshll.u32 s5, $0x1;
	s2 =	sadd.s32 s19, s18  }
0x9c: {  	s6 =	simm.s32 $0x0;
	s20 =	sshll.u32 s4, $0x1;
	s4 =	sadd.s32 s21, s2  }
0x9d: {  	[timem:s6], [sflag:s22] =	dma.local [hbm:s4], s20  }
0x9e: {  	_ =	swait.ge [sflag:s22], s20  }
0x9f: {  	s3 =	ssub.s32 $0x0, s20;
	[sflag:s22] =	ssyncset.done $0x0  }
0xa0: {  	[sflag:s22] =	ssyncadd.s32 s3;
	_ =	sdelay $0x1  }
0xa1: {  	s23 =	simm.s32 $0x1B8B  }
0xa2: {  	_ =	swait.ge [sflag:s23], $0x1  }
0xa3: {  	[sflag:s23] =	ssyncset.done $0x0  }
0xa4: {  	s25 =	simm.s32 $0x1B8E;
	s24 =	sld [smem:$0x3FFE];
	[sflag:s23] =	ssyncadd.s32 $0xFFFFFFFF  }
0xa5: {  	s26 =	simm.s32 $execute0_lowered;
	[smem:$0x3FD2] =	sst s25  }
0xa6: {  	s4 =	sshll.u32 s26, $0x1;
	_ =	strace $0x80000046;
	[dreg:$0x1] =	wrdreg $0xFFFFFFFF  }
0xa7: {  	s28 =	simm.s32 $_size_execute0_lowered;
	s2 =	sadd.s32 s2, s4;
	[dreg:$0x0] =	wrdreg $0x0  }
0xa8: {  	s4 =	sshll.u32 s28, $0x1;
	[dreg:$0x2] =	wrdreg s2  }
0xa9: {  	[dreg:$0x3] =	wrdreg s4  }
0xaa: {  	[dreg:$0x4] =	wrdreg $0xC0  }
0xab: {  	_ =	task [dreg:s6], $0x5FFFF  }
0xac: {  	[dreg:$0x1] =	wrdreg $0xFFFFFFFF  }
0xad: {  	[dreg:$0x0] =	wrdreg $0x60  }
0xae: {  	[dreg:$0x2] =	wrdreg s24  }
0xaf: {  	[dreg:$0x3] =	wrdreg $0xA  }
0xb0: {  	_ =	task.clear_ibuf [dreg:s6], $0x4FFFF;
	_ =	strace $0x90000046  }
0xb1: {  	s29 =	simm.s32 $0xA;
	_ =	strace $0x80000048  }
0xb2: {  	_ =	swait.ge [sflag:s29], $0x1  }
0xb3: {  	[sflag:s29] =	ssyncadd.s32 $0xFFFFFFFF  }
0xb4: {  	_ =	strace $0x90000048  }
0xb5: {  	_ =	sfence  }
0xb6: {  	s30 =	sld [smem:$0x0];
	_ =	sdelay $0x2  }
0xb7: {  	s31 =	sshll.u32 s1, $0xD;
	s1 =	sshrl.u32 s1, $0x2  }
0xb8: {  	s3 =	sand.u32 $0x4000, s31;
	s1 =	sadd.s32 s1, s30  }
0xb9: {  	s0 =	sor.u32 s3, s0;
	s1 =	sshll.u32 s1, $0x11  }
0xba: {  	s0 =	sor.u32 s1, s0  }
0xbb: {  	s0 =	sadd.s32 $0x8F2B, s0  }
0xbc: {  	[sflag:s0] =	ssyncadd.remote.s32 $0x1  }
0xbd: {  	_ =	sfence.sel $0xFFFF  }
0xbe: {  	[dreg:$0x0] =	wrdreg $0xFFFFFFFF;
	(pc) =	sbr.abs _section_cstart, $3  }
0xbf: {  	[dreg:$0x1] =	wrdreg $0xFFFFFFFF  }
0xc0: {  	_ =	task.clear_ibuf [dreg:s6], $0x2FFFF;
	_ =	strace $0x9FFFFFFF  }
0xc1: {  	(tm) =	ssettm $0x7FFFFFFF  }
tec
execute0_lowered:
.L_overlay_start_1:
0x0: {  	(tag) =	ssettag $0x1  }
0x1: {  	s3 =	rddreg [dreg:$0x0];
	s2 =	srdreg.scid  }
0x2: {  	s0 =	rddreg [dreg:$0x1];
	s1 =	stileid.u32;
	s8 =	simm.s32 $0x2  }
0x3: {  	s9 =	simm.s32 $0x200;
	s10 =	simm.s32 $0x80;
	s11 =	simm.s32 $0x400  }
0x4: {  	s12 =	simm.s32 $0x4400;
	s13 =	simm.s32 $0x1;
	s14 =	simm.s32 $0x100  }
0x5: {  	v0 =	vlaneseq.u32;
	s15 =	simm.s32 $0x180;
	s16 =	simm.s32 $0x8400;
	s4 =	sand.u32 $0x1, s2  }
0x6: {  	s2 =	simm.s32 $0x0;
	s5 =	sshll.u32 s1, $0x7;
	v0 =	vmul.u32 $0x80, v0;
	s6 =	sshll.u32 s4, $0x6  }
0x7: {  	[smem:$0x7FF] =	sst s2;
	s4 =	ssub.s32 $0x2, s4;
	s5 =	sor.u32 s6, s5  }
0x8: {  	_ =	strace $0x80000047;
	s31 =	sshrl.u32 s4, $0x1;
	v1 =	vor.u32 $0x800, v0;
	s6 =	sadd.s32 s5, s3  }
0x9: {  	v2 =	vor.u32 $0x1000, v0;
	v3 =	vor.u32 $0x1800, v0;
	v4 =	vor.u32 $0x2000, v0;
	s3 =	sadd.s32 $0x2C00, s3;
	s7 =	ssub.s32 s4, s31;
	s4 =	sadd.s32 $0x2400, s6  }
0xa: {  	v5 =	vor.u32 $0x2800, v0;
	v6 =	vor.u32 $0x3000, v0;
	v7 =	vor.u32 $0x3800, v0;
	s5 =	sadd.s32 $0x1C00, s6;
	s6 =	sadd.s32 $0x21C00, s6;
	s7 =	smax.u32 s7, $0x1  }
.LBB2_1:
0xb: {  	[tilespmem:s2], [sflag:$0x2] =	stream.linear.gather [hbm4b:s4+s2], $0x200, $0x38;
	[tilespmem:$0x8600] =	vst v63  }
0xc: {  	_ =	swait.ge [sflag:s8], $0x200  }
0xd: {  	[sflag:s8] =	ssyncset.done $0x0  }
0xe: {  	[sflag:s8] =	ssyncadd.s32 $0xFFFFFE00  }
0xf: {  	[tilespmem:s9], [sflag:$0x2] =	stream.linear.gather [hbm4b:s5+s2], $0x200, $0x38;
	[tilespmem:$0x8600] =	vst v63  }
0x10: {  	_ =	swait.ge [sflag:s8], $0x200  }
0x11: {  	[sflag:s8] =	ssyncset.done $0x0  }
0x12: {  	[sflag:s8] =	ssyncadd.s32 $0xFFFFFE00  }
0x13: {  	[tilespmem:s11], [sflag:$0x1] =	stream.indirect.gather [hbm4b:s3+s10], $0x80, s2, s10, $0xb8;
	[tilespmem:$0x8600] =	vst v63  }
0x14: {  	_ = 	snop  }
0x15: {  	[tilespmem:s12], [sflag:$0x1] =	stream.indirect.gather [hbm4b:s3+s10], $0x80, s10, s10, $0xb8;
	[tilespmem:$0x8600] =	vst v63  }
0x16: {  	_ =	swait.ge [sflag:s13], $0x4000  }
0x17: {  	[sflag:s13] =	ssyncset.done $0x0  }
0x18: {  	[sflag:s13] =	ssyncadd.s32 $0xFFFFC000  }
0x19: {  	v8 =	vld [tilespmem:$0x200];
	_ =	sdelay $0x4  }
0x1a: {  	v8 =	vadd.s32 v0, v8  }
0x1b: {  	v9 =	vld [tilespmem:$0x210];
	_ =	sdelay $0x3  }
0x1c: {  	v8 =	vld.idx.msk [tilespmem:v8+s11+$0x0], $0xffff  }
0x1d: {  	v9 =	vadd.s32 v1, v9  }
0x1e: {  	v10 =	vld [tilespmem:$0x220];
	_ =	sdelay $0x2  }
0x1f: {  	[tilespmem:$0x8400] =	vst v8  }
0x20: {  	v8 =	vld.idx.msk [tilespmem:v9+s11+$0x0], $0xffff  }
0x21: {  	v14 =	vadd.s32 v2, v10  }
0x22: {  	v15 =	vld [tilespmem:$0x230];
	_ =	sdelay $0x2  }
0x23: {  	[tilespmem:$0x8410] =	vst v8  }
0x24: {  	v8 =	vld.idx.msk [tilespmem:v14+s11+$0x0], $0xffff  }
0x25: {  	v16 =	vadd.s32 v3, v15  }
0x26: {  	v17 =	vld [tilespmem:$0x240];
	_ =	sdelay $0x2  }
0x27: {  	[tilespmem:$0x8420] =	vst v8  }
0x28: {  	v8 =	vld.idx.msk [tilespmem:v16+s11+$0x0], $0xffff  }
0x29: {  	v18 =	vadd.s32 v4, v17  }
0x2a: {  	v19 =	vld [tilespmem:$0x250];
	_ =	sdelay $0x2  }
0x2b: {  	[tilespmem:$0x8430] =	vst v8  }
0x2c: {  	v8 =	vld.idx.msk [tilespmem:v18+s11+$0x0], $0xffff  }
0x2d: {  	v20 =	vadd.s32 v5, v19  }
0x2e: {  	v21 =	vld [tilespmem:$0x260];
	_ =	sdelay $0x2  }
0x2f: {  	[tilespmem:$0x8440] =	vst v8  }
0x30: {  	v8 =	vld.idx.msk [tilespmem:v20+s11+$0x0], $0xffff  }
0x31: {  	v22 =	vadd.s32 v6, v21  }
0x32: {  	v23 =	vld [tilespmem:$0x270];
	_ =	sdelay $0x2  }
0x33: {  	[tilespmem:$0x8450] =	vst v8  }
0x34: {  	v8 =	vld.idx.msk [tilespmem:v22+s11+$0x0], $0xffff  }
0x35: {  	v24 =	vadd.s32 v7, v23;
	_ =	sdelay $0x3  }
0x36: {  	[tilespmem:$0x8460] =	vst v8  }
0x37: {  	v8 =	vld.idx.msk [tilespmem:v24+s11+$0x0], $0xffff;
	_ =	sdelay $0x4  }
0x38: {  	[tilespmem:$0x8470] =	vst v8  }
0x39: {  	[tilespmem:s11], [sflag:$0x1] =	stream.indirect.gather [hbm4b:s3+s10], $0x80, s14, s10, $0xb8;
	[tilespmem:$0x8600] =	vst v63  }
0x3a: {  	_ =	swait.ge [sflag:s13], $0x4000  }
0x3b: {  	[sflag:s13] =	ssyncset.done $0x0  }
0x3c: {  	[sflag:s13] =	ssyncadd.s32 $0xFFFFC000  }
0x3d: {  	v8 =	vld [tilespmem:$0x280];
	_ =	sdelay $0x4  }
0x3e: {  	v8 =	vadd.s32 v0, v8  }
0x3f: {  	v25 =	vld [tilespmem:$0x290];
	_ =	sdelay $0x3  }
0x40: {  	v8 =	vld.idx.msk [tilespmem:v8+s12+$0x0], $0xffff  }
0x41: {  	v9 =	vadd.s32 v1, v25  }
0x42: {  	v26 =	vld [tilespmem:$0x2A0];
	_ =	sdelay $0x2  }
0x43: {  	[tilespmem:$0x8480] =	vst v8  }
0x44: {  	v8 =	vld.idx.msk [tilespmem:v9+s12+$0x0], $0xffff  }
0x45: {  	v27 =	vadd.s32 v2, v26  }
0x46: {  	v28 =	vld [tilespmem:$0x2B0];
	_ =	sdelay $0x2  }
0x47: {  	[tilespmem:$0x8490] =	vst v8  }
0x48: {  	v8 =	vld.idx.msk [tilespmem:v27+s12+$0x0], $0xffff  }
0x49: {  	v29 =	vadd.s32 v3, v28  }
0x4a: {  	v30 =	vld [tilespmem:$0x2C0];
	_ =	sdelay $0x2  }
0x4b: {  	[tilespmem:$0x84A0] =	vst v8  }
0x4c: {  	v8 =	vld.idx.msk [tilespmem:v29+s12+$0x0], $0xffff  }
0x4d: {  	v31 =	vadd.s32 v4, v30  }
0x4e: {  	v32 =	vld [tilespmem:$0x2D0];
	_ =	sdelay $0x2  }
0x4f: {  	[tilespmem:$0x84B0] =	vst v8  }
0x50: {  	v8 =	vld.idx.msk [tilespmem:v31+s12+$0x0], $0xffff  }
0x51: {  	v33 =	vadd.s32 v5, v32  }
0x52: {  	v34 =	vld [tilespmem:$0x2E0];
	_ =	sdelay $0x2  }
0x53: {  	[tilespmem:$0x84C0] =	vst v8  }
0x54: {  	v8 =	vld.idx.msk [tilespmem:v33+s12+$0x0], $0xffff  }
0x55: {  	v35 =	vadd.s32 v6, v34  }
0x56: {  	v36 =	vld [tilespmem:$0x2F0];
	_ =	sdelay $0x2  }
0x57: {  	[tilespmem:$0x84D0] =	vst v8  }
0x58: {  	v8 =	vld.idx.msk [tilespmem:v35+s12+$0x0], $0xffff  }
0x59: {  	v37 =	vadd.s32 v7, v36;
	_ =	sdelay $0x3  }
0x5a: {  	[tilespmem:$0x84E0] =	vst v8  }
0x5b: {  	v8 =	vld.idx.msk [tilespmem:v37+s12+$0x0], $0xffff;
	_ =	sdelay $0x4  }
0x5c: {  	[tilespmem:$0x84F0] =	vst v8  }
0x5d: {  	[tilespmem:s12], [sflag:$0x1] =	stream.indirect.gather [hbm4b:s3+s10], $0x80, s15, s10, $0xb8;
	[tilespmem:$0x8600] =	vst v63  }
0x5e: {  	_ =	swait.ge [sflag:s13], $0x4000  }
0x5f: {  	[sflag:s13] =	ssyncset.done $0x0  }
0x60: {  	[sflag:s13] =	ssyncadd.s32 $0xFFFFC000  }
0x61: {  	v8 =	vld [tilespmem:$0x300];
	_ =	sdelay $0x4  }
0x62: {  	v8 =	vadd.s32 v0, v8  }
0x63: {  	v38 =	vld [tilespmem:$0x310];
	_ =	sdelay $0x3  }
0x64: {  	v8 =	vld.idx.msk [tilespmem:v8+s11+$0x0], $0xffff  }
0x65: {  	v9 =	vadd.s32 v1, v38  }
0x66: {  	v39 =	vld [tilespmem:$0x320];
	_ =	sdelay $0x2  }
0x67: {  	[tilespmem:$0x8500] =	vst v8  }
0x68: {  	v8 =	vld.idx.msk [tilespmem:v9+s11+$0x0], $0xffff  }
0x69: {  	v40 =	vadd.s32 v2, v39  }
0x6a: {  	v41 =	vld [tilespmem:$0x330];
	_ =	sdelay $0x2  }
0x6b: {  	[tilespmem:$0x8510] =	vst v8  }
0x6c: {  	v8 =	vld.idx.msk [tilespmem:v40+s11+$0x0], $0xffff  }
0x6d: {  	v42 =	vadd.s32 v3, v41  }
0x6e: {  	v43 =	vld [tilespmem:$0x340];
	_ =	sdelay $0x2  }
0x6f: {  	[tilespmem:$0x8520] =	vst v8  }
0x70: {  	v8 =	vld.idx.msk [tilespmem:v42+s11+$0x0], $0xffff  }
0x71: {  	v44 =	vadd.s32 v4, v43  }
0x72: {  	v45 =	vld [tilespmem:$0x350];
	_ =	sdelay $0x2  }
0x73: {  	[tilespmem:$0x8530] =	vst v8  }
0x74: {  	v8 =	vld.idx.msk [tilespmem:v44+s11+$0x0], $0xffff  }
0x75: {  	v46 =	vadd.s32 v5, v45  }
0x76: {  	v47 =	vld [tilespmem:$0x360];
	_ =	sdelay $0x2  }
0x77: {  	[tilespmem:$0x8540] =	vst v8  }
0x78: {  	v8 =	vld.idx.msk [tilespmem:v46+s11+$0x0], $0xffff  }
0x79: {  	v48 =	vadd.s32 v6, v47  }
0x7a: {  	v49 =	vld [tilespmem:$0x370];
	_ =	sdelay $0x2  }
0x7b: {  	[tilespmem:$0x8550] =	vst v8  }
0x7c: {  	v8 =	vld.idx.msk [tilespmem:v48+s11+$0x0], $0xffff  }
0x7d: {  	v50 =	vadd.s32 v7, v49;
	_ =	sdelay $0x3  }
0x7e: {  	[tilespmem:$0x8560] =	vst v8  }
0x7f: {  	v8 =	vld.idx.msk [tilespmem:v50+s11+$0x0], $0xffff;
	_ =	sdelay $0x4  }
0x80: {  	[tilespmem:$0x8570] =	vst v8  }
0x81: {  	_ =	swait.ge [sflag:s13], $0x4000  }
0x82: {  	[sflag:s13] =	ssyncset.done $0x0  }
0x83: {  	[sflag:s13] =	ssyncadd.s32 $0xFFFFC000  }
0x84: {  	v8 =	vld [tilespmem:$0x380];
	_ =	sdelay $0x4  }
0x85: {  	v8 =	vadd.s32 v0, v8  }
0x86: {  	v51 =	vld [tilespmem:$0x390];
	_ =	sdelay $0x3  }
0x87: {  	v8 =	vld.idx.msk [tilespmem:v8+s12+$0x0], $0xffff  }
0x88: {  	v9 =	vadd.s32 v1, v51  }
0x89: {  	v52 =	vld [tilespmem:$0x3A0];
	_ =	sdelay $0x2  }
0x8a: {  	[tilespmem:$0x8580] =	vst v8  }
0x8b: {  	v8 =	vld.idx.msk [tilespmem:v9+s12+$0x0], $0xffff  }
0x8c: {  	v53 =	vadd.s32 v2, v52  }
0x8d: {  	v54 =	vld [tilespmem:$0x3B0];
	_ =	sdelay $0x2  }
0x8e: {  	[tilespmem:$0x8590] =	vst v8  }
0x8f: {  	v8 =	vld.idx.msk [tilespmem:v53+s12+$0x0], $0xffff  }
0x90: {  	v55 =	vadd.s32 v3, v54  }
0x91: {  	v56 =	vld [tilespmem:$0x3C0];
	_ =	sdelay $0x2  }
0x92: {  	[tilespmem:$0x85A0] =	vst v8  }
0x93: {  	v8 =	vld.idx.msk [tilespmem:v55+s12+$0x0], $0xffff  }
0x94: {  	v57 =	vadd.s32 v4, v56  }
0x95: {  	v58 =	vld [tilespmem:$0x3D0];
	_ =	sdelay $0x2  }
0x96: {  	[tilespmem:$0x85B0] =	vst v8  }
0x97: {  	v8 =	vld.idx.msk [tilespmem:v57+s12+$0x0], $0xffff  }
0x98: {  	v59 =	vadd.s32 v5, v58  }
0x99: {  	v60 =	vld [tilespmem:$0x3E0];
	_ =	sdelay $0x2  }
0x9a: {  	[tilespmem:$0x85C0] =	vst v8  }
0x9b: {  	v8 =	vld.idx.msk [tilespmem:v59+s12+$0x0], $0xffff  }
0x9c: {  	v61 =	vadd.s32 v6, v60  }
0x9d: {  	v62 =	vld [tilespmem:$0x3F0];
	_ =	sdelay $0x2  }
0x9e: {  	[tilespmem:$0x85D0] =	vst v8  }
0x9f: {  	v8 =	vld.idx.msk [tilespmem:v61+s12+$0x0], $0xffff  }
0xa0: {  	v63 =	vadd.s32 v7, v62;
	_ =	sdelay $0x3  }
0xa1: {  	[tilespmem:$0x85E0] =	vst v8  }
0xa2: {  	v8 =	vld.idx.msk [tilespmem:v63+s12+$0x0], $0xffff;
	_ =	sdelay $0x3  }
0xa3: {  	p0 =	sne.s32 s7, $0x1  }
.Ltmp0:
0xa4: {  	[tilespmem:$0x85F0] =	vst v8;
	(pc) =	sbr.rel @p0 .LBB2_1-.Ltmp0, $4  }
0xa5: {  	[hbm4b:s6+s2] =	stream.linear.scatter [tilespmem:s16], [sflag:$0x2], $0x200, $0x38;
	[tilespmem:$0x8600] =	vst v63  }
0xa6: {  	_ =	swait.ge [sflag:s8], $0x200  }
0xa7: {  	[sflag:s8] =	ssyncset.done $0x0  }
0xa8: {  	s7 =	sadd.s32 $0xFFFFFFFF, s7;
	[sflag:s8] =	ssyncadd.s32 $0xFFFFFE00  }
0xa9: {  	_ =	sfence.sel $0x180000  }
0xaa: {  	[bflag:$0x0] =	sbarrier.arrive $0xFFFF  }
0xab: {  	p0 =	sne.s32 s1, $0x0;
	_ =	strace $0x90000047  }
0xac: {  	s0 =	sadd.s32 @!p0 $0x100000, s0;
	[bflag:$0x2] =	sbarrier.arrive $0xFFFF  }
0xad: {  	[sflag:s0] =	ssyncadd.tile.s32 @!p0 $0x1;
	_ =	shalt  }
.Lfunc_end2:
_tile_overlayer_lowered:
.L_overlay_start_2:
0xae: {  	(tag) =	ssettag $0x2  }
0xaf: {  	s0 =	rddreg [dreg:$0x0];
	s2 =	stileid.u32  }
0xb0: {  	s1 =	rddreg [dreg:$0x1];
	p0 =	sne.s32 s2, $0x0  }
0xb1: {  	s3 =	rddreg [dreg:$0x2];
	[bflag:$0x3] =	sbarrier.arrive $0xFFFF;
	s2 =	simm.s32 @!p0 $0x1C02  }
0xb2: {  	[timem:s3], [sflag:s2] =	dma.local @!p0 [hbm:s0], s1  }
0xb3: {  	s0 =	simm.s32 @!p0 $0x2  }
0xb4: {  	_ =	swait.ge @!p0 [sflag:s0], s1  }
0xb5: {  	s1 =	ssub.s32 @!p0 $0x0, s1;
	[sflag:s0] =	ssyncset.done @!p0 $0x0  }
0xb6: {  	[sflag:s0] =	ssyncadd.s32 @!p0 s1  }
0xb7: {  	[bflag:$0x3] =	sbarrier.arrive $0xFFFF  }
0xb8: {  	_ =	shalt  }

// kernel: kernel.7.cloned.1.call-start
scs
__scs_entry_jumppad:
0x0: {  	(pc) =	sbr.rel $0x88, $3  }
0x1: {  	(tag) =	ssettag $0x0;
	lr =	simm.s32 $0x1  }
0x2: {  	[smem:$0x3F99] =	sst lr;
	_ =	strace $0xD0000000  }
0x3: {  	_ = 	snop  }
0x4: {  	_ = 	snop  }
0x5: {  	_ = 	snop  }
0x6: {  	_ = 	snop  }
0x7: {  	_ = 	snop  }
__scs_overlays_trampoline_lowered:
0x8: {  	[smem:$0x3FA8] =	sst s0  }
0x9: {  	[smem:$0x3FA9] =	sst s1  }
0xa: {  	[smem:$0x3FAA] =	sst s2  }
0xb: {  	[smem:$0x3FAB] =	sst s3  }
0xc: {  	[smem:$0x3FAC] =	sst s4  }
0xd: {  	[smem:$0x3FAD] =	sst s5  }
0xe: {  	[smem:$0x3FAE] =	sst s6  }
0xf: {  	[smem:$0x3FAF] =	sst s7  }
0x10: {  	[smem:$0x3FB0] =	sst s8  }
0x11: {  	[smem:$0x3FB1] =	sst s9;
	s0 =	simm.s32 @!p0 $0x0  }
0x12: {  	s1 =	sld [smem:$0x3F97];
	s0 =	simm.s32 @p0 $0x1  }
0x13: {  	[smem:$0x3FB2] =	sst s0;
	s0 =	simm.s32 @!p1 $0x0  }
0x14: {  	s2 =	sld [smem:$0x3F96];
	s0 =	simm.s32 @p1 $0x1  }
0x15: {  	[smem:$0x3FB3] =	sst s0;
	s0 =	simm.s32 @!p2 $0x0  }
0x16: {  	s3 =	sld [smem:$0x3FDB];
	s0 =	simm.s32 @p2 $0x1  }
0x17: {  	s4 =	simm.s32 $0x1BF5;
	[smem:$0x3FB5] =	sst s0  }
0x18: {  	s0 =	sld [smem:$0x3F98];
	_ =	swait.ge [sflag:s4], $0x0  }
0x19: {  	s7 =	sld [smem:$0x3F99]  }
0x1a: {  	s8 =	sadd.s32 $0xFFFFE003, lr  }
0x1b: {  	s9 =	sadd.s32 $0xFFFFFEF7, lr;
	s5 =	simm.s32 $0xFFFFFFFF;
	p2 =	slt.u32 s8, $0xFFFFF086  }
0x1c: {  	p1 =	slt.u32 s9, $0xF7A;
	s5 =	simm.s32 @!p2 $0x0  }
0x1d: {  	s5 =	simm.s32 @p1 $0x1;
	p0 =	seq.s32 s7, s2  }
0x1e: {  	s7 =	smul.u32 @!p0 $0xF7A, s2;
	p2 =	seq.s32 @!p0 s5, $0x0  }
0x1f: {  	s9 =	smul.u32 $0xF7A, s1;
	s8 =	simm.s32 @!p0 $0x1BF5;
	p2 =	por !p2, p0  }
0x20: {  	[sflag:s8] =	ssyncset.s32 @!p0 $0xFFFFF086;
	s6 =	sadd.s32 @!p0 s3, s7;
	s7 =	simm.s32 @!p0 $0x108  }
0x21: {  	s3 =	sadd.s32 s3, s9;
	s6 =	sadd.s32 @!p0 $0x88, s6;
	s7 =	simm.s32 @p2 $0x1082  }
0x22: {  	[simem:s7], [sflag:s8] =	dma.local @!p0 [hbm:s6], $0xF7A  }
0x23: {  	s9 =	sor.u32 $0xD0000000, s2;
	s6 =	simm.s32 $0x108;
	_ =	swait.ge @!p0 [sflag:s8], $0x0  }
0x24: {  	s3 =	sadd.s32 $0x88, s3;
	s6 =	simm.s32 @!p1 $0x1082;
	[sflag:s4] =	ssyncset.s32 $0xFFFFF086  }
0x25: {  	[simem:s6], [sflag:s4] =	dma.local [hbm:s3], $0xF7A  }
0x26: {  	[smem:$0x3F99] =	sst s1;
	(tag) =	ssettag s2;
	_ =	strace s9  }
0x27: {  	s1 =	sld [smem:$0x3FA9]  }
0x28: {  	s2 =	sld [smem:$0x3FAA]  }
0x29: {  	s4 =	sld [smem:$0x3FAC]  }
0x2a: {  	p0 =	seq.s32 s5, $0x0;
	s5 =	sld [smem:$0x3FAD]  }
0x2b: {  	s6 =	sld [smem:$0x3FAE]  }
0x2c: {  	s7 =	sld [smem:$0x3FAF]  }
0x2d: {  	s3 =	simm.s32 $0x108;
	s8 =	sld [smem:$0x3FB0]  }
0x2e: {  	s3 =	simm.s32 @!p0 $0x1082;
	s9 =	sld [smem:$0x3FB1]  }
0x2f: {  	lr =	sadd.s32 s0, s3;
	s0 =	sld [smem:$0x3FA8]  }
0x30: {  	s3 =	sld [smem:$0x3FAB]  }
0x31: {  	[smem:$0x3FB4] =	sst s10  }
0x32: {  	s10 =	sld [smem:$0x3FB2];
	_ =	sdelay $0x3  }
0x33: {  	p0 =	seq.s32 s10, $0x1;
	s10 =	sld [smem:$0x3FB4];
	_ =	sdelay $0x3  }
0x34: {  	[smem:$0x3FB4] =	sst s10  }
0x35: {  	s10 =	sld [smem:$0x3FB3];
	_ =	sdelay $0x3  }
0x36: {  	p1 =	seq.s32 s10, $0x1;
	s10 =	sld [smem:$0x3FB4];
	_ =	sdelay $0x3  }
0x37: {  	[smem:$0x3FB4] =	sst s10  }
0x38: {  	s10 =	sld [smem:$0x3FB5]  }
0x39: {  	_ = 	snop;
	(pc) =	sbr.ind lr, $3  }
0x3a: {  	_ = 	snop  }
0x3b: {  	_ = 	snop  }
0x3c: {  	p2 =	seq.s32 s10, $0x1;
	s10 =	sld [smem:$0x3FB4]  }
0x3d: {  	_ =	shalt  }
0x3e: {  	_ =	shalt  }
0x3f: {  	_ =	shalt  }
0x40: {  	_ =	shalt  }
0x41: {  	_ =	shalt  }
0x42: {  	_ =	shalt  }
0x43: {  	_ =	shalt  }
0x44: {  	_ =	shalt  }
0x45: {  	_ =	shalt  }
0x46: {  	_ =	shalt  }
0x47: {  	_ =	shalt  }
0x48: {  	_ =	shalt  }
0x49: {  	_ =	shalt  }
0x4a: {  	_ =	shalt  }
0x4b: {  	_ =	shalt  }
0x4c: {  	_ =	shalt  }
0x4d: {  	_ =	shalt  }
0x4e: {  	_ =	shalt  }
0x4f: {  	_ =	shalt  }
0x50: {  	_ =	shalt  }
0x51: {  	_ =	shalt  }
0x52: {  	_ =	shalt  }
0x53: {  	_ =	shalt  }
0x54: {  	_ =	shalt  }
0x55: {  	_ =	shalt  }
0x56: {  	_ =	shalt  }
0x57: {  	_ =	shalt  }
0x58: {  	_ =	shalt  }
0x59: {  	_ =	shalt  }
0x5a: {  	_ =	shalt  }
0x5b: {  	_ =	shalt  }
0x5c: {  	_ =	shalt  }
0x5d: {  	_ =	shalt  }
0x5e: {  	_ =	shalt  }
0x5f: {  	_ =	shalt  }
0x60: {  	_ =	shalt  }
0x61: {  	_ =	shalt  }
0x62: {  	_ =	shalt  }
0x63: {  	_ =	shalt  }
0x64: {  	_ =	shalt  }
0x65: {  	_ =	shalt  }
0x66: {  	_ =	shalt  }
0x67: {  	_ =	shalt  }
0x68: {  	_ =	shalt  }
0x69: {  	_ =	shalt  }
0x6a: {  	_ =	shalt  }
0x6b: {  	_ =	shalt  }
0x6c: {  	_ =	shalt  }
0x6d: {  	_ =	shalt  }
0x6e: {  	_ =	shalt  }
0x6f: {  	_ =	shalt  }
0x70: {  	_ =	shalt  }
0x71: {  	_ =	shalt  }
0x72: {  	_ =	shalt  }
0x73: {  	_ =	shalt  }
0x74: {  	_ =	shalt  }
0x75: {  	_ =	shalt  }
0x76: {  	_ =	shalt  }
0x77: {  	_ =	shalt  }
0x78: {  	_ =	shalt  }
0x79: {  	_ =	shalt  }
0x7a: {  	_ =	shalt  }
0x7b: {  	_ =	shalt  }
0x7c: {  	_ =	shalt  }
0x7d: {  	_ =	shalt  }
0x7e: {  	_ =	shalt  }
0x7f: {  	_ =	shalt  }
0x80: {  	_ =	shalt  }
0x81: {  	_ =	shalt  }
0x82: {  	_ =	shalt  }
0x83: {  	_ =	shalt  }
0x84: {  	_ =	shalt  }
0x85: {  	_ =	shalt  }
0x86: {  	_ =	shalt  }
0x87: {  	_ =	shalt  }
.Lfunc_end0:
.L_simem_size_0:
called_computation_lowered:
.L_overlay_start_0:
0x88: {  	s2 =	sld [smem:$0x3FD9]  }
0x89: {  	s3 =	sld [smem:$0x3FFE];
	_ =	sdelay $0x1  }
0x8a: {  	s1 =	srdreg.scid  }
0x8b: {  	s0 =	sand.u32 $0x1, s1  }
0x8c: {  	s17 =	sshll.u32 s0, $0xA;
	s2 =	sadd.s32 s3, s2  }
0x8d: {  	s2 =	sadd.s32 s2, s17  }
0x8e: {  	[smem:$0x3FC0] =	sst s2  }
0x8f: {  	_ = 	snop  }
0x90: {  	s18 =	sld [smem:$0x3FD0];
	(tm) =	ssettm $0x1  }
0x91: {  	s19 =	sld [smem:$0x3FFB];
	_ =	sdelay $0x3  }
0x92: {  	_ =	strace s19  }
0x93: {  	s2 =	sld [smem:$0x3FFC];
	_ =	sdelay $0x3  }
0x94: {  	_ =	strace s2  }
0x95: {  	s2 =	sld [smem:$0x3FFD];
	_ =	sdelay $0x3  }
0x96: {  	_ =	strace s2  }
0x97: {  	_ =	strace $0x8FFFFFFF  }
0x98: {  	s20 =	sld [smem:$0x3FDB];
	_ =	sdelay $0x1  }
0x99: {  	s4 =	simm.s32 $_scs_section_size  }
0x9a: {  	s5 =	simm.s32 $_size__tile_overlayer_lowered;
	s6 =	simm.s32 $_tile_overlayer_lowered  }
0x9b: {  	s7 =	simm.s32 $0x1BFF;
	s21 =	sshll.u32 s6, $0x1;
	s4 =	sadd.s32 s4, s20  }
0x9c: {  	s22 =	simm.s32 $0x0;
	s5 =	sshll.u32 s5, $0x1;
	s6 =	sadd.s32 s21, s4  }
0x9d: {  	[timem:s22], [sflag:s7] =	dma.local [hbm:s6], s5  }
0x9e: {  	_ =	swait.ge [sflag:s7], s5  }
0x9f: {  	s5 =	ssub.s32 $0x0, s5;
	[sflag:s7] =	ssyncset.done $0x0  }
0xa0: {  	[sflag:s7] =	ssyncadd.s32 s5;
	_ =	sdelay $0x1  }
0xa1: {  	s23 =	simm.s32 $0x1B8B  }
0xa2: {  	_ =	swait.ge [sflag:s23], $0x1  }
0xa3: {  	[sflag:s23] =	ssyncset.done $0x0  }
0xa4: {  	[sflag:s23] =	ssyncadd.s32 $0xFFFFFFFF  }
0xa5: {  	s5 =	sld [smem:$0x0]  }
0xa6: {  	s6 =	sand.u32 $0xFFFFFFFE, s1  }
0xa7: {  	p0 =	sne.s32 s1, s6  }
0xa8: {  	s6 =	sshll.u32 @p0 s6, $0xE  }
0xa9: {  	s6 =	sadd.s32 @p0 $0x11B8D, s6;
	s7 =	sshll.u32 @p0 s5, $0x11  }
0xaa: {  	s6 =	sor.u32 @p0 s7, s6  }
0xab: {  	[sflag:s6] =	ssyncadd.remote.s32 @p0 $0x1;
	_ =	sdelay $0x1  }
0xac: {  	s6 =	simm.s32 @p0 $0x1B8D  }
0xad: {  	_ =	swait.eq @p0 [sflag:s6], $0x1  }
0xae: {  	[sflag:s6] =	ssyncadd.s32 @p0 $0xFFFFFFFF  }
0xaf: {  	s7 =	sshll.u32 @!p0 s1, $0xE  }
0xb0: {  	s7 =	sor.u32 @!p0 $0x4000, s7;
	s6 =	simm.s32 @!p0 $0x1B8D  }
0xb1: {  	s5 =	sshll.u32 @!p0 s5, $0x11;
	s7 =	sadd.s32 @!p0 $0x11B8D, s7;
	_ =	swait.eq @!p0 [sflag:s6], $0x1  }
0xb2: {  	s5 =	sor.u32 @!p0 s5, s7;
	[sflag:s6] =	ssyncadd.s32 @!p0 $0xFFFFFFFF  }
0xb3: {  	s25 =	simm.s32 $0x1B8E;
	s24 =	sld [smem:$0x3FFE];
	[sflag:s5] =	ssyncadd.remote.s32 @!p0 $0x1  }
0xb4: {  	s26 =	simm.s32 $execute0_lowered;
	[smem:$0x3FD2] =	sst s25  }
0xb5: {  	s6 =	sshll.u32 s26, $0x1;
	_ =	strace $0x80000049;
	[dreg:$0x1] =	wrdreg $0xFFFFFFFF  }
0xb6: {  	s28 =	simm.s32 $_size_execute0_lowered;
	s4 =	sadd.s32 s4, s6;
	[dreg:$0x0] =	wrdreg $0x0  }
0xb7: {  	s6 =	sshll.u32 s28, $0x1;
	[dreg:$0x2] =	wrdreg s4  }
0xb8: {  	[dreg:$0x3] =	wrdreg s6  }
0xb9: {  	[dreg:$0x4] =	wrdreg $0xC0  }
0xba: {  	_ =	task [dreg:s22], $0x5FFFF  }
0xbb: {  	[dreg:$0x1] =	wrdreg $0xFFFFFFFF  }
0xbc: {  	[dreg:$0x0] =	wrdreg $0x60  }
0xbd: {  	[dreg:$0x2] =	wrdreg s24  }
0xbe: {  	[dreg:$0x3] =	wrdreg s18  }
0xbf: {  	[dreg:$0x4] =	wrdreg $0x9  }
0xc0: {  	_ =	task.clear_ibuf [dreg:s22], $0x5FFFF;
	_ =	strace $0x90000049  }
0xc1: {  	s29 =	simm.s32 $0x9;
	_ =	strace $0x8000004B  }
0xc2: {  	_ =	swait.ge [sflag:s29], $0x1  }
0xc3: {  	[sflag:s29] =	ssyncadd.s32 $0xFFFFFFFF  }
0xc4: {  	_ =	strace $0x9000004B  }
0xc5: {  	_ =	sfence  }
0xc6: {  	s30 =	sld [smem:$0x0];
	_ =	sdelay $0x2  }
0xc7: {  	s31 =	sshll.u32 s1, $0xD;
	s1 =	sshrl.u32 s1, $0x2  }
0xc8: {  	s4 =	sand.u32 $0x4000, s31;
	s1 =	sadd.s32 s1, s30  }
0xc9: {  	s0 =	sor.u32 s4, s0;
	s1 =	sshll.u32 s1, $0x11  }
0xca: {  	s0 =	sor.u32 s1, s0  }
0xcb: {  	s0 =	sadd.s32 $0x8F2B, s0  }
0xcc: {  	[sflag:s0] =	ssyncadd.remote.s32 $0x1  }
0xcd: {  	_ =	sfence.sel $0xFFFF  }
0xce: {  	[dreg:$0x0] =	wrdreg $0xFFFFFFFF;
	(pc) =	sbr.abs _section_cstart, $3  }
0xcf: {  	[dreg:$0x1] =	wrdreg $0xFFFFFFFF  }
0xd0: {  	_ =	task.clear_ibuf [dreg:s22], $0x2FFFF;
	_ =	strace $0x9FFFFFFF  }
0xd1: {  	(tm) =	ssettm $0x7FFFFFFF  }
tec
execute0_lowered:
.L_overlay_start_1:
0x0: {  	(tag) =	ssettag $0x1  }
0x1: {  	s3 =	rddreg [dreg:$0x0]  }
0x2: {  	s5 =	rddreg [dreg:$0x1];
	s2 =	srdreg.scid  }
0x3: {  	s0 =	rddreg [dreg:$0x2];
	s1 =	stileid.u32;
	s9 =	simm.s32 $0x200  }
0x4: {  	s10 =	simm.s32 $0x80;
	s11 =	simm.s32 $0x400;
	s12 =	simm.s32 $0x4400  }
0x5: {  	s13 =	simm.s32 $0x1;
	s14 =	simm.s32 $0x100;
	s15 =	simm.s32 $0x180  }
0x6: {  	v0 =	vlaneseq.u32;
	s16 =	simm.s32 $0x8400;
	s4 =	sand.u32 $0x1, s2;
	s2 =	simm.s32 $0x0  }
0x7: {  	s6 =	sshll.u32 s1, $0x7;
	v0 =	vmul.u32 $0x80, v0;
	s7 =	sshll.u32 s4, $0x6;
	[smem:$0x7FF] =	sst s2  }
0x8: {  	s4 =	ssub.s32 $0x2, s4;
	s6 =	sor.u32 s7, s6;
	_ =	strace $0x8000004A  }
0x9: {  	s8 =	sshrl.u32 s4, $0x1;
	v1 =	vor.u32 $0x800, v0;
	s7 =	sadd.s32 s6, s3;
	s3 =	sadd.s32 $0x22400, s3  }
0xa: {  	v2 =	vor.u32 $0x1000, v0;
	v3 =	vor.u32 $0x1800, v0;
	v4 =	vor.u32 $0x2000, v0;
	s8 =	ssub.s32 s4, s8;
	s5 =	sadd.s32 s5, s6;
	s4 =	sadd.s32 $0x41400, s7  }
0xb: {  	v5 =	vor.u32 $0x2800, v0;
	v6 =	vor.u32 $0x3000, v0;
	v7 =	vor.u32 $0x3800, v0;
	s6 =	sadd.s32 $0x41C00, s7;
	s7 =	smax.u32 s8, $0x1;
	s8 =	simm.s32 $0x2  }
.LBB2_1:
0xc: {  	[tilespmem:s2], [sflag:$0x2] =	stream.linear.gather [hbm4b:s4+s2], $0x200, $0x38;
	[tilespmem:$0x8600] =	vst v63  }
0xd: {  	_ =	swait.ge [sflag:s8], $0x200  }
0xe: {  	[sflag:s8] =	ssyncset.done $0x0  }
0xf: {  	[sflag:s8] =	ssyncadd.s32 $0xFFFFFE00  }
0x10: {  	[tilespmem:s9], [sflag:$0x2] =	stream.linear.gather [hbm4b:s5+s2], $0x200, $0x38;
	[tilespmem:$0x8600] =	vst v63  }
0x11: {  	_ =	swait.ge [sflag:s8], $0x200  }
0x12: {  	[sflag:s8] =	ssyncset.done $0x0  }
0x13: {  	[sflag:s8] =	ssyncadd.s32 $0xFFFFFE00  }
0x14: {  	[tilespmem:s11], [sflag:$0x1] =	stream.indirect.gather [hbm4b:s3+s10], $0x80, s2, s10, $0xb8;
	[tilespmem:$0x8600] =	vst v63  }
0x15: {  	_ = 	snop  }
0x16: {  	[tilespmem:s12], [sflag:$0x1] =	stream.indirect.gather [hbm4b:s3+s10], $0x80, s10, s10, $0xb8;
	[tilespmem:$0x8600] =	vst v63  }
0x17: {  	_ =	swait.ge [sflag:s13], $0x4000  }
0x18: {  	[sflag:s13] =	ssyncset.done $0x0  }
0x19: {  	[sflag:s13] =	ssyncadd.s32 $0xFFFFC000  }
0x1a: {  	v8 =	vld [tilespmem:$0x200];
	_ =	sdelay $0x4  }
0x1b: {  	v8 =	vadd.s32 v0, v8  }
0x1c: {  	v9 =	vld [tilespmem:$0x210];
	_ =	sdelay $0x3  }
0x1d: {  	v8 =	vld.idx.msk [tilespmem:v8+s11+$0x0], $0xffff  }
0x1e: {  	v9 =	vadd.s32 v1, v9  }
0x1f: {  	v10 =	vld [tilespmem:$0x220];
	_ =	sdelay $0x2  }
0x20: {  	[tilespmem:$0x8400] =	vst v8  }
0x21: {  	v8 =	vld.idx.msk [tilespmem:v9+s11+$0x0], $0xffff  }
0x22: {  	v14 =	vadd.s32 v2, v10  }
0x23: {  	v15 =	vld [tilespmem:$0x230];
	_ =	sdelay $0x2  }
0x24: {  	[tilespmem:$0x8410] =	vst v8  }
0x25: {  	v8 =	vld.idx.msk [tilespmem:v14+s11+$0x0], $0xffff  }
0x26: {  	v16 =	vadd.s32 v3, v15  }
0x27: {  	v17 =	vld [tilespmem:$0x240];
	_ =	sdelay $0x2  }
0x28: {  	[tilespmem:$0x8420] =	vst v8  }
0x29: {  	v8 =	vld.idx.msk [tilespmem:v16+s11+$0x0], $0xffff  }
0x2a: {  	v18 =	vadd.s32 v4, v17  }
0x2b: {  	v19 =	vld [tilespmem:$0x250];
	_ =	sdelay $0x2  }
0x2c: {  	[tilespmem:$0x8430] =	vst v8  }
0x2d: {  	v8 =	vld.idx.msk [tilespmem:v18+s11+$0x0], $0xffff  }
0x2e: {  	v20 =	vadd.s32 v5, v19  }
0x2f: {  	v21 =	vld [tilespmem:$0x260];
	_ =	sdelay $0x2  }
0x30: {  	[tilespmem:$0x8440] =	vst v8  }
0x31: {  	v8 =	vld.idx.msk [tilespmem:v20+s11+$0x0], $0xffff  }
0x32: {  	v22 =	vadd.s32 v6, v21  }
0x33: {  	v23 =	vld [tilespmem:$0x270];
	_ =	sdelay $0x2  }
0x34: {  	[tilespmem:$0x8450] =	vst v8  }
0x35: {  	v8 =	vld.idx.msk [tilespmem:v22+s11+$0x0], $0xffff  }
0x36: {  	v24 =	vadd.s32 v7, v23;
	_ =	sdelay $0x3  }
0x37: {  	[tilespmem:$0x8460] =	vst v8  }
0x38: {  	v8 =	vld.idx.msk [tilespmem:v24+s11+$0x0], $0xffff;
	_ =	sdelay $0x4  }
0x39: {  	[tilespmem:$0x8470] =	vst v8  }
0x3a: {  	[tilespmem:s11], [sflag:$0x1] =	stream.indirect.gather [hbm4b:s3+s10], $0x80, s14, s10, $0xb8;
	[tilespmem:$0x8600] =	vst v63  }
0x3b: {  	_ =	swait.ge [sflag:s13], $0x4000  }
0x3c: {  	[sflag:s13] =	ssyncset.done $0x0  }
0x3d: {  	[sflag:s13] =	ssyncadd.s32 $0xFFFFC000  }
0x3e: {  	v8 =	vld [tilespmem:$0x280];
	_ =	sdelay $0x4  }
0x3f: {  	v8 =	vadd.s32 v0, v8  }
0x40: {  	v25 =	vld [tilespmem:$0x290];
	_ =	sdelay $0x3  }
0x41: {  	v8 =	vld.idx.msk [tilespmem:v8+s12+$0x0], $0xffff  }
0x42: {  	v9 =	vadd.s32 v1, v25  }
0x43: {  	v26 =	vld [tilespmem:$0x2A0];
	_ =	sdelay $0x2  }
0x44: {  	[tilespmem:$0x8480] =	vst v8  }
0x45: {  	v8 =	vld.idx.msk [tilespmem:v9+s12+$0x0], $0xffff  }
0x46: {  	v27 =	vadd.s32 v2, v26  }
0x47: {  	v28 =	vld [tilespmem:$0x2B0];
	_ =	sdelay $0x2  }
0x48: {  	[tilespmem:$0x8490] =	vst v8  }
0x49: {  	v8 =	vld.idx.msk [tilespmem:v27+s12+$0x0], $0xffff  }
0x4a: {  	v29 =	vadd.s32 v3, v28  }
0x4b: {  	v30 =	vld [tilespmem:$0x2C0];
	_ =	sdelay $0x2  }
0x4c: {  	[tilespmem:$0x84A0] =	vst v8  }
0x4d: {  	v8 =	vld.idx.msk [tilespmem:v29+s12+$0x0], $0xffff  }
0x4e: {  	v31 =	vadd.s32 v4, v30  }
0x4f: {  	v32 =	vld [tilespmem:$0x2D0];
	_ =	sdelay $0x2  }
0x50: {  	[tilespmem:$0x84B0] =	vst v8  }
0x51: {  	v8 =	vld.idx.msk [tilespmem:v31+s12+$0x0], $0xffff  }
0x52: {  	v33 =	vadd.s32 v5, v32  }
0x53: {  	v34 =	vld [tilespmem:$0x2E0];
	_ =	sdelay $0x2  }
0x54: {  	[tilespmem:$0x84C0] =	vst v8  }
0x55: {  	v8 =	vld.idx.msk [tilespmem:v33+s12+$0x0], $0xffff  }
0x56: {  	v35 =	vadd.s32 v6, v34  }
0x57: {  	v36 =	vld [tilespmem:$0x2F0];
	_ =	sdelay $0x2  }
0x58: {  	[tilespmem:$0x84D0] =	vst v8  }
0x59: {  	v8 =	vld.idx.msk [tilespmem:v35+s12+$0x0], $0xffff  }
0x5a: {  	v37 =	vadd.s32 v7, v36;
	_ =	sdelay $0x3  }
0x5b: {  	[tilespmem:$0x84E0] =	vst v8  }
0x5c: {  	v8 =	vld.idx.msk [tilespmem:v37+s12+$0x0], $0xffff;
	_ =	sdelay $0x4  }
0x5d: {  	[tilespmem:$0x84F0] =	vst v8  }
0x5e: {  	[tilespmem:s12], [sflag:$0x1] =	stream.indirect.gather [hbm4b:s3+s10], $0x80, s15, s10, $0xb8;
	[tilespmem:$0x8600] =	vst v63  }
0x5f: {  	_ =	swait.ge [sflag:s13], $0x4000  }
0x60: {  	[sflag:s13] =	ssyncset.done $0x0  }
0x61: {  	[sflag:s13] =	ssyncadd.s32 $0xFFFFC000  }
0x62: {  	v8 =	vld [tilespmem:$0x300];
	_ =	sdelay $0x4  }
0x63: {  	v8 =	vadd.s32 v0, v8  }
0x64: {  	v38 =	vld [tilespmem:$0x310];
	_ =	sdelay $0x3  }
0x65: {  	v8 =	vld.idx.msk [tilespmem:v8+s11+$0x0], $0xffff  }
0x66: {  	v9 =	vadd.s32 v1, v38  }
0x67: {  	v39 =	vld [tilespmem:$0x320];
	_ =	sdelay $0x2  }
0x68: {  	[tilespmem:$0x8500] =	vst v8  }
0x69: {  	v8 =	vld.idx.msk [tilespmem:v9+s11+$0x0], $0xffff  }
0x6a: {  	v40 =	vadd.s32 v2, v39  }
0x6b: {  	v41 =	vld [tilespmem:$0x330];
	_ =	sdelay $0x2  }
0x6c: {  	[tilespmem:$0x8510] =	vst v8  }
0x6d: {  	v8 =	vld.idx.msk [tilespmem:v40+s11+$0x0], $0xffff  }
0x6e: {  	v42 =	vadd.s32 v3, v41  }
0x6f: {  	v43 =	vld [tilespmem:$0x340];
	_ =	sdelay $0x2  }
0x70: {  	[tilespmem:$0x8520] =	vst v8  }
0x71: {  	v8 =	vld.idx.msk [tilespmem:v42+s11+$0x0], $0xffff  }
0x72: {  	v44 =	vadd.s32 v4, v43  }
0x73: {  	v45 =	vld [tilespmem:$0x350];
	_ =	sdelay $0x2  }
0x74: {  	[tilespmem:$0x8530] =	vst v8  }
0x75: {  	v8 =	vld.idx.msk [tilespmem:v44+s11+$0x0], $0xffff  }
0x76: {  	v46 =	vadd.s32 v5, v45  }
0x77: {  	v47 =	vld [tilespmem:$0x360];
	_ =	sdelay $0x2  }
0x78: {  	[tilespmem:$0x8540] =	vst v8  }
0x79: {  	v8 =	vld.idx.msk [tilespmem:v46+s11+$0x0], $0xffff  }
0x7a: {  	v48 =	vadd.s32 v6, v47  }
0x7b: {  	v49 =	vld [tilespmem:$0x370];
	_ =	sdelay $0x2  }
0x7c: {  	[tilespmem:$0x8550] =	vst v8  }
0x7d: {  	v8 =	vld.idx.msk [tilespmem:v48+s11+$0x0], $0xffff  }
0x7e: {  	v50 =	vadd.s32 v7, v49;
	_ =	sdelay $0x3  }
0x7f: {  	[tilespmem:$0x8560] =	vst v8  }
0x80: {  	v8 =	vld.idx.msk [tilespmem:v50+s11+$0x0], $0xffff;
	_ =	sdelay $0x4  }
0x81: {  	[tilespmem:$0x8570] =	vst v8  }
0x82: {  	_ =	swait.ge [sflag:s13], $0x4000  }
0x83: {  	[sflag:s13] =	ssyncset.done $0x0  }
0x84: {  	[sflag:s13] =	ssyncadd.s32 $0xFFFFC000  }
0x85: {  	v8 =	vld [tilespmem:$0x380];
	_ =	sdelay $0x4  }
0x86: {  	v8 =	vadd.s32 v0, v8  }
0x87: {  	v51 =	vld [tilespmem:$0x390];
	_ =	sdelay $0x3  }
0x88: {  	v8 =	vld.idx.msk [tilespmem:v8+s12+$0x0], $0xffff  }
0x89: {  	v9 =	vadd.s32 v1, v51  }
0x8a: {  	v52 =	vld [tilespmem:$0x3A0];
	_ =	sdelay $0x2  }
0x8b: {  	[tilespmem:$0x8580] =	vst v8  }
0x8c: {  	v8 =	vld.idx.msk [tilespmem:v9+s12+$0x0], $0xffff  }
0x8d: {  	v53 =	vadd.s32 v2, v52  }
0x8e: {  	v54 =	vld [tilespmem:$0x3B0];
	_ =	sdelay $0x2  }
0x8f: {  	[tilespmem:$0x8590] =	vst v8  }
0x90: {  	v8 =	vld.idx.msk [tilespmem:v53+s12+$0x0], $0xffff  }
0x91: {  	v55 =	vadd.s32 v3, v54  }
0x92: {  	v56 =	vld [tilespmem:$0x3C0];
	_ =	sdelay $0x2  }
0x93: {  	[tilespmem:$0x85A0] =	vst v8  }
0x94: {  	v8 =	vld.idx.msk [tilespmem:v55+s12+$0x0], $0xffff  }
0x95: {  	v57 =	vadd.s32 v4, v56  }
0x96: {  	v58 =	vld [tilespmem:$0x3D0];
	_ =	sdelay $0x2  }
0x97: {  	[tilespmem:$0x85B0] =	vst v8  }
0x98: {  	v8 =	vld.idx.msk [tilespmem:v57+s12+$0x0], $0xffff  }
0x99: {  	v59 =	vadd.s32 v5, v58  }
0x9a: {  	v60 =	vld [tilespmem:$0x3E0];
	_ =	sdelay $0x2  }
0x9b: {  	[tilespmem:$0x85C0] =	vst v8  }
0x9c: {  	v8 =	vld.idx.msk [tilespmem:v59+s12+$0x0], $0xffff  }
0x9d: {  	v61 =	vadd.s32 v6, v60  }
0x9e: {  	v62 =	vld [tilespmem:$0x3F0];
	_ =	sdelay $0x2  }
0x9f: {  	[tilespmem:$0x85D0] =	vst v8  }
0xa0: {  	v8 =	vld.idx.msk [tilespmem:v61+s12+$0x0], $0xffff  }
0xa1: {  	v63 =	vadd.s32 v7, v62;
	_ =	sdelay $0x3  }
0xa2: {  	[tilespmem:$0x85E0] =	vst v8  }
0xa3: {  	v8 =	vld.idx.msk [tilespmem:v63+s12+$0x0], $0xffff;
	_ =	sdelay $0x3  }
0xa4: {  	p0 =	sne.s32 s7, $0x1  }
.Ltmp0:
0xa5: {  	[tilespmem:$0x85F0] =	vst v8;
	(pc) =	sbr.rel @p0 .LBB2_1-.Ltmp0, $4  }
0xa6: {  	[hbm4b:s6+s2] =	stream.linear.scatter [tilespmem:s16], [sflag:$0x2], $0x200, $0x38;
	[tilespmem:$0x8600] =	vst v63  }
0xa7: {  	_ =	swait.ge [sflag:s8], $0x200  }
0xa8: {  	[sflag:s8] =	ssyncset.done $0x0  }
0xa9: {  	s7 =	sadd.s32 $0xFFFFFFFF, s7;
	[sflag:s8] =	ssyncadd.s32 $0xFFFFFE00  }
0xaa: {  	_ =	sfence.sel $0x180000  }
0xab: {  	[bflag:$0x0] =	sbarrier.arrive $0xFFFF  }
0xac: {  	p0 =	sne.s32 s1, $0x0;
	_ =	strace $0x9000004A  }
0xad: {  	s0 =	sadd.s32 @!p0 $0x100000, s0;
	[bflag:$0x2] =	sbarrier.arrive $0xFFFF  }
0xae: {  	[sflag:s0] =	ssyncadd.tile.s32 @!p0 $0x1;
	_ =	shalt  }
.Lfunc_end2:
_tile_overlayer_lowered:
.L_overlay_start_2:
0xaf: {  	(tag) =	ssettag $0x2  }
0xb0: {  	s0 =	rddreg [dreg:$0x0];
	s2 =	stileid.u32  }
0xb1: {  	s1 =	rddreg [dreg:$0x1];
	p0 =	sne.s32 s2, $0x0  }
0xb2: {  	s3 =	rddreg [dreg:$0x2];
	[bflag:$0x3] =	sbarrier.arrive $0xFFFF;
	s2 =	simm.s32 @!p0 $0x1C02  }
0xb3: {  	[timem:s3], [sflag:s2] =	dma.local @!p0 [hbm:s0], s1  }
0xb4: {  	s0 =	simm.s32 @!p0 $0x2  }
0xb5: {  	_ =	swait.ge @!p0 [sflag:s0], s1  }
0xb6: {  	s1 =	ssub.s32 @!p0 $0x0, s1;
	[sflag:s0] =	ssyncset.done @!p0 $0x0  }
0xb7: {  	[sflag:s0] =	ssyncadd.s32 @!p0 s1  }
0xb8: {  	[bflag:$0x3] =	sbarrier.arrive $0xFFFF  }
0xb9: {  	_ =	shalt  }

</sc_bundles>
